<compile_context>
chip_gen: v7x
topology: tpu7x:2x2x1
jax: 0.10.2.dev20260603
libtpu: 0.0.44.dev20260713+nightly
codegen_flags: <defaults>
</compile_context>

<pallas_src>
import jax
import jax.numpy as jnp
from jax import lax
from jax.experimental import pallas as pl
from jax.experimental.pallas import tpu as pltpu
from jax.experimental.pallas import tpu_sc as plsc

N_NODES = 10000
N_EDGES = 320000
H = 128

NC = 2
NS = 16
NW = NC * NS

GC_G = 80
E_PER_W = N_EDGES // NW
G_ITERS = E_PER_W // GC_G
GC = 400
E_PER_T = N_EDGES // NS
S_ITERS = E_PER_T // GC

CNT_W = 16
HALF = 5000
A_ROWS = 5120
A_PER_T = A_ROWS // NS
DUMP_MASK = 63


def _vmesh():
    return plsc.VectorSubcoreMesh(core_axis_name="c", subcore_axis_name="s",
                                  num_cores=NC, num_subcores=NS)


def _gather_body(x_hbm, src_hbm, dst_hbm, xs_hbm, xd_hbm,
                 idx_s, idx_d, rows_s, rows_d, sem_s, sem_d):
    cid = lax.axis_index("c")
    sid = lax.axis_index("s")
    wid = cid * NS + sid

    def step(i, carry):
        base = wid * E_PER_W + i * GC_G
        pltpu.sync_copy(src_hbm.at[pl.ds(base, GC_G)], idx_s)
        pltpu.sync_copy(dst_hbm.at[pl.ds(base, GC_G)], idx_d)
        cp_s = pltpu.async_copy(x_hbm.at[idx_s], rows_s, sem_s)
        cp_d = pltpu.async_copy(x_hbm.at[idx_d], rows_d, sem_d)
        cp_s.wait()
        cp_d.wait()
        pltpu.sync_copy(rows_s, xs_hbm.at[pl.ds(base, GC_G)])
        pltpu.sync_copy(rows_d, xd_hbm.at[pl.ds(base, GC_G)])
        return carry

    lax.fori_loop(0, G_ITERS, step, None)


def _sc_gather(x, src, dst):
    return pl.kernel(
        _gather_body,
        out_type=(
            jax.ShapeDtypeStruct((N_EDGES, H), jnp.float32),
            jax.ShapeDtypeStruct((N_EDGES, H), jnp.float32),
        ),
        mesh=_vmesh(),
        scratch_types=[
            pltpu.VMEM((GC_G,), jnp.int32),
            pltpu.VMEM((GC_G,), jnp.int32),
            pltpu.VMEM((GC_G, H), jnp.float32),
            pltpu.VMEM((GC_G, H), jnp.float32),
            pltpu.SemaphoreType.DMA,
            pltpu.SemaphoreType.DMA,
        ],
    )(x, src, dst)


def _scatter_body(dst_hbm, eo_hbm, zrow_hbm, zcnt_hbm,
                  sums_hbm, cnt_hbm,
                  idx_v, idx2_v, rows_v, cnt_v, acc_sh):
    cid = lax.axis_index("c")
    sid = lax.axis_index("s")
    lo = cid * HALF

    stripe = sid * A_PER_T
    pltpu.sync_copy(zrow_hbm, rows_v.at[pl.ds(0, A_PER_T)])
    pltpu.sync_copy(rows_v.at[pl.ds(0, A_PER_T)],
                    acc_sh.at[pl.ds(stripe, A_PER_T)])
    pltpu.sync_copy(zcnt_hbm, cnt_v)
    plsc.subcore_barrier()

    def step(i, carry):
        base = sid * E_PER_T + i * GC
        pltpu.sync_copy(dst_hbm.at[pl.ds(base, GC)], idx_v)
        pltpu.sync_copy(eo_hbm.at[pl.ds(base, GC)], rows_v)
        for j in range(GC // 16):
            v = idx_v[pl.ds(j * 16, 16)]
            m = v - lo
            ok = (m >= 0) & (m < HALF)
            dump = HALF + (v & DUMP_MASK)
            v2 = jnp.where(ok, m, dump)
            idx2_v[pl.ds(j * 16, 16)] = v2
            occ, last = plsc.scan_count(v2)
            plsc.addupdate_scatter(cnt_v, [v2], occ.astype(jnp.float32),
                                   mask=last)
        pltpu.sync_copy(rows_v, acc_sh.at[idx2_v], add=True)
        return carry

    lax.fori_loop(0, S_ITERS, step, None)
    plsc.subcore_barrier()

    pltpu.sync_copy(acc_sh.at[pl.ds(stripe, A_PER_T)],
                    rows_v.at[pl.ds(0, A_PER_T)])
    pltpu.sync_copy(rows_v.at[pl.ds(0, A_PER_T)],
                    sums_hbm.at[cid, pl.ds(stripe, A_PER_T)])
    pltpu.sync_copy(cnt_v, cnt_hbm.at[cid, sid])


def _sc_scatter(edge_out, dst):
    zrow = jnp.zeros((A_PER_T, H), jnp.float32)
    zcnt = jnp.zeros((A_ROWS,), jnp.float32)
    return pl.kernel(
        _scatter_body,
        out_type=(
            jax.ShapeDtypeStruct((NC, A_ROWS, H), jnp.float32),
            jax.ShapeDtypeStruct((NC, NS, A_ROWS), jnp.float32),
        ),
        mesh=_vmesh(),
        compiler_params=pltpu.CompilerParams(needs_layout_passes=False),
        scratch_types=[
            pltpu.VMEM((GC,), jnp.int32),
            pltpu.VMEM((GC,), jnp.int32),
            pltpu.VMEM((GC, H), jnp.float32),
            pltpu.VMEM((A_ROWS,), jnp.float32),
            pltpu.VMEM_SHARED((A_ROWS, H), jnp.float32),
        ],
    )(dst, edge_out, zrow, zcnt)


def _elu(z):
    return jnp.where(z > 0, z, jnp.exp(jnp.minimum(z, 0.0)) - 1.0)


def _edge_mlp_body(ea_ref, xs_ref, xd_ref, wa_ref, ws_ref, wd_ref, b1_ref,
                   w2_ref, b2_ref, out_ref):
    ea = ea_ref[...]
    z = (jnp.dot(ea, wa_ref[...], preferred_element_type=jnp.float32)
         + jnp.dot(xs_ref[...], ws_ref[...], preferred_element_type=jnp.float32)
         + jnp.dot(xd_ref[...], wd_ref[...], preferred_element_type=jnp.float32)
         + b1_ref[...])
    h = _elu(z)
    out_ref[...] = ea + jnp.dot(h, w2_ref[...],
                                preferred_element_type=jnp.float32) + b2_ref[...]


def _tc_edge_mlp(edge_attr, xs, xd, We1, be1, We2, be2):
    EB = 2000
    grid = (N_EDGES // EB,)
    row_spec = pl.BlockSpec((EB, H), lambda i: (i, 0))
    w_spec = pl.BlockSpec((H, H), lambda i: (0, 0))
    b_spec = pl.BlockSpec((1, H), lambda i: (0, 0))
    return pl.pallas_call(
        _edge_mlp_body,
        grid=grid,
        in_specs=[row_spec, row_spec, row_spec,
                  w_spec, w_spec, w_spec, b_spec, w_spec, b_spec],
        out_specs=row_spec,
        out_shape=jax.ShapeDtypeStruct((N_EDGES, H), jnp.float32),
        compiler_params=pltpu.CompilerParams(
            dimension_semantics=("arbitrary",)),
    )(edge_attr, xs, xd, We1[:H], We1[H:2 * H], We1[2 * H:],
      be1.reshape(1, H), We2, be2.reshape(1, H))


def _node_mlp_body(x_ref, s_ref, c_ref,
                   wx_ref, wg_ref, b1_ref, w2_ref, b2_ref, out_ref):
    x = x_ref[...]
    ones_col = jnp.ones((NS, 1), jnp.float32)
    cnt = lax.dot_general(c_ref[0], ones_col, (((0,), (0,)), ((), ())),
                          preferred_element_type=jnp.float32)[:x.shape[0]]
    agg = s_ref[0] / jnp.maximum(cnt, 1.0)
    z = (jnp.dot(x, wx_ref[...], preferred_element_type=jnp.float32)
         + jnp.dot(agg, wg_ref[...], preferred_element_type=jnp.float32)
         + b1_ref[...])
    h = _elu(z)
    out_ref[...] = x + jnp.dot(h, w2_ref[...],
                               preferred_element_type=jnp.float32) + b2_ref[...]


def _tc_node_mlp(x, sums_p, cnt_p, Wn1, bn1, Wn2, bn2):
    NB = HALF
    grid = (N_NODES // NB,)
    row_spec = pl.BlockSpec((NB, H), lambda i: (i, 0))
    sum_spec = pl.BlockSpec((1, NB, H), lambda i: (i, 0, 0))
    cnt_spec = pl.BlockSpec((1, NS, A_ROWS), lambda i: (i, 0, 0))
    w_spec = pl.BlockSpec((H, H), lambda i: (0, 0))
    b_spec = pl.BlockSpec((1, H), lambda i: (0, 0))
    return pl.pallas_call(
        _node_mlp_body,
        grid=grid,
        in_specs=[row_spec, sum_spec, cnt_spec,
                  w_spec, w_spec, b_spec, w_spec, b_spec],
        out_specs=row_spec,
        out_shape=jax.ShapeDtypeStruct((N_NODES, H), jnp.float32),
        compiler_params=pltpu.CompilerParams(
            dimension_semantics=("arbitrary",)),
    )(x, sums_p, cnt_p,
      Wn1[:H], Wn1[H:], bn1.reshape(1, H), Wn2, bn2.reshape(1, H))


def kernel(x, edge_index, edge_attr, We1, be1, We2, be2, Wn1, bn1, Wn2, bn2):
    src = edge_index[0]
    dst = edge_index[1]
    xs, xd = _sc_gather(x, src, dst)
    edge_out = _tc_edge_mlp(edge_attr, xs, xd, We1, be1, We2, be2)
    sums_p, cnt_p = _sc_scatter(edge_out, dst)
    node_out = _tc_node_mlp(x, sums_p, cnt_p, Wn1, bn1, Wn2, bn2)
    return node_out, edge_out

# --- scband reference (transcript-rebuilt; emitter-appended) ---
"""Pipeline reference for scband-multiscale-message-passing-90374701842961 (READ-ONLY COPY).

The authoritative reference and input builder live on the scoring server;
editing this copy changes nothing except your own understanding.
"""

import jax, jax.numpy as jnp
import numpy as np

N_NODES = 10000
N_EDGES = 320000
H = 128


def _mlp(z, W1, b1, W2, b2):
    # 2-layer MLP with ELU activation (matches MLP(num_layers=2) in the torch code)
    h = jax.nn.elu(z @ W1 + b1)
    return h @ W2 + b2


def setup_inputs(seed: int = 0) -> dict:
    key = jax.random.key(seed)
    ks = jax.random.split(key, 12)
    x = jax.random.normal(ks[0], (N_NODES, H), dtype=jnp.float32)
    edge_index = jax.random.randint(ks[1], (2, N_EDGES), 0, N_NODES, dtype=jnp.int32)
    edge_attr = jax.random.normal(ks[2], (N_EDGES, H), dtype=jnp.float32)
    s = 0.05
    # EdgeModel: MLP(2, 3*H, H, H)
    We1 = jax.random.normal(ks[3], (3 * H, H), dtype=jnp.float32) * s
    be1 = jnp.zeros((H,), dtype=jnp.float32)
    We2 = jax.random.normal(ks[4], (H, H), dtype=jnp.float32) * s
    be2 = jnp.zeros((H,), dtype=jnp.float32)
    # NodeModel: MLP(2, 2*H, H, H)
    Wn1 = jax.random.normal(ks[5], (2 * H, H), dtype=jnp.float32) * s
    bn1 = jnp.zeros((H,), dtype=jnp.float32)
    Wn2 = jax.random.normal(ks[6], (H, H), dtype=jnp.float32) * s
    bn2 = jnp.zeros((H,), dtype=jnp.float32)
    return {
        "x": x,
        "edge_index": edge_index,
        "edge_attr": edge_attr,
        "We1": We1, "be1": be1, "We2": We2, "be2": be2,
        "Wn1": Wn1, "bn1": bn1, "Wn2": Wn2, "bn2": bn2,
    }


def reference(x, edge_index, edge_attr, We1, be1, We2, be2, Wn1, bn1, Wn2, bn2):
    src = edge_index[0]
    dst = edge_index[1]
    # EdgeModel: concat(edge_attr, src_feats, dst_feats) -> MLP, residual connection
    e_in = jnp.concatenate([edge_attr, x[src], x[dst]], axis=1)
    edge_out = edge_attr + _mlp(e_in, We1, be1, We2, be2)
    # NodeModel: scatter_mean of updated edge features into destination nodes
    sums = jax.ops.segment_sum(edge_out, dst, num_segments=N_NODES)
    cnt = jax.ops.segment_sum(jnp.ones((edge_out.shape[0], 1), dtype=edge_out.dtype), dst, num_segments=N_NODES)
    agg = sums / jnp.maximum(cnt, 1.0)
    n_in = jnp.concatenate([x, agg], axis=1)
    node_out = x + _mlp(n_in, Wn1, bn1, Wn2, bn2)
    return (node_out, edge_out)

if __name__ == "__main__":
    import jax
    _d = setup_inputs()
    print(jax.jit(kernel)(*tuple(_d.values())))

</pallas_src>

<mosaic_0001>
#map = affine_map<(d0, d1) -> (0)>
#map1 = affine_map<(d0, d1) -> (0, 0)>
#map2 = affine_map<(d0, d1) -> (0, 0, 0)>
module attributes {stable_mosaic.version = 14 : i64} {
  func.func @_scatter_body(%arg0: i32, %arg1: i32, %arg2: memref<320000xi32, #tpu.memory_space<hbm>>, %arg3: memref<320000x128xf32, #tpu.memory_space<hbm>>, %arg4: memref<320x128xf32, #tpu.memory_space<hbm>>, %arg5: memref<5120xf32, #tpu.memory_space<hbm>>, %arg6: memref<2x5120x128xf32, #tpu.memory_space<hbm>>, %arg7: memref<2x16x5120xf32, #tpu.memory_space<hbm>>, %arg8: memref<400xi32, #tpu.memory_space<vmem>>, %arg9: memref<400xi32, #tpu.memory_space<vmem>>, %arg10: memref<400x128xf32, #tpu.memory_space<vmem>>, %arg11: memref<5120xf32, #tpu.memory_space<vmem>>, %arg12: memref<5120x128xf32, #tpu.memory_space<vmem_shared>>) attributes {dimension_semantics = [#tpu.dimension_semantics<core_parallel>, #tpu.dimension_semantics<subcore_parallel>], iteration_bounds = array<i64: 2, 16>, scalar_prefetch = 0 : i64, scratch_operands = 5 : i64, tpu.core_type = #tpu.core_type<sc_vector_subcore>, window_params = [{transform_indices = #map}, {transform_indices = #map1}, {transform_indices = #map1}, {transform_indices = #map}, {transform_indices = #map2}, {transform_indices = #map2}]} {
    %mul3A = arith.constant 5000 : i32
    %mul3A_0 = arith.muli %arg0, %mul3A : i32
    %mul3A_1 = arith.constant 320 : i32
    %mul3A_2 = arith.muli %arg1, %mul3A_1 : i32
    "tpu.region"() ({
      %run_scoped3A = tpu.sem_alloc : memref<!tpu.dma_semaphore, #tpu.memory_space<semaphore_mem>>
      %dma_start3A = arith.constant 0 : i32
      %dma_start3A_8 = arith.constant 0 : i32
      %dma_start3A_9 = tpu.memref_slice %arg10[%dma_start3A, %dma_start3A_8] : memref<400x128xf32, #tpu.memory_space<vmem>> -> memref<320x128xf32, #tpu.memory_space<vmem>>
      %dma_start3A_10 = arith.constant 0 : i32
      %dma_start3A_11 = arith.constant 0 : i32
      %dma_start3A_12 = tpu.memref_slice %arg10[%dma_start3A_10, %dma_start3A_11] : memref<400x128xf32, #tpu.memory_space<vmem>> -> memref<320x128xf32, #tpu.memory_space<vmem>>
      tpu.enqueue_dma source(%arg4 : memref<320x128xf32, #tpu.memory_space<hbm>>) target(%dma_start3A_12 : memref<320x128xf32, #tpu.memory_space<vmem>>) target_semaphore(%run_scoped3A : memref<!tpu.dma_semaphore, #tpu.memory_space<semaphore_mem>>)
      %dma_wait3A = arith.constant 0 : i32
      %dma_wait3A_13 = arith.constant 0 : i32
      %dma_wait3A_14 = tpu.memref_slice %arg10[%dma_wait3A, %dma_wait3A_13] : memref<400x128xf32, #tpu.memory_space<vmem>> -> memref<320x128xf32, #tpu.memory_space<vmem>>
      %dma_wait3A_15 = arith.constant 0 : i32
      %dma_wait3A_16 = arith.constant 0 : i32
      %dma_wait3A_17 = tpu.memref_slice %arg10[%dma_wait3A_15, %dma_wait3A_16] : memref<400x128xf32, #tpu.memory_space<vmem>> -> memref<320x128xf32, #tpu.memory_space<vmem>>
      tpu.wait_dma2 semaphore(%run_scoped3A : memref<!tpu.dma_semaphore, #tpu.memory_space<semaphore_mem>>) src(%arg4 : memref<320x128xf32, #tpu.memory_space<hbm>>) dst(%dma_wait3A_17 : memref<320x128xf32, #tpu.memory_space<vmem>>)
      tpu.yield
    }) : () -> ()
    "tpu.region"() ({
      %run_scoped3A = tpu.sem_alloc : memref<!tpu.dma_semaphore, #tpu.memory_space<semaphore_mem>>
      %dma_start3A = arith.constant 0 : i32
      %dma_start3A_8 = arith.constant 0 : i32
      %dma_start3A_9 = tpu.memref_slice %arg10[%dma_start3A, %dma_start3A_8] : memref<400x128xf32, #tpu.memory_space<vmem>> -> memref<320x128xf32, #tpu.memory_space<vmem>>
      %dma_start3A_10 = arith.constant 0 : i32
      %dma_start3A_11 = tpu.memref_slice %arg12[%mul3A_2, %dma_start3A_10] : memref<5120x128xf32, #tpu.memory_space<vmem_shared>> -> memref<320x128xf32, #tpu.memory_space<vmem_shared>>
      %dma_start3A_12 = arith.constant 0 : i32
      %dma_start3A_13 = tpu.memref_slice %arg12[%mul3A_2, %dma_start3A_12] : memref<5120x128xf32, #tpu.memory_space<vmem_shared>> -> memref<320x128xf32, #tpu.memory_space<vmem_shared>>
      %dma_start3A_14 = arith.constant 0 : i32
      %dma_start3A_15 = arith.constant 0 : i32
      %dma_start3A_16 = tpu.memref_slice %arg10[%dma_start3A_14, %dma_start3A_15] : memref<400x128xf32, #tpu.memory_space<vmem>> -> memref<320x128xf32, #tpu.memory_space<vmem>>
      tpu.enqueue_dma source(%dma_start3A_16 : memref<320x128xf32, #tpu.memory_space<vmem>>) target(%dma_start3A_13 : memref<320x128xf32, #tpu.memory_space<vmem_shared>>) target_semaphore(%run_scoped3A : memref<!tpu.dma_semaphore, #tpu.memory_space<semaphore_mem>>)
      %dma_wait3A = arith.constant 0 : i32
      %dma_wait3A_17 = arith.constant 0 : i32
      %dma_wait3A_18 = tpu.memref_slice %arg10[%dma_wait3A, %dma_wait3A_17] : memref<400x128xf32, #tpu.memory_space<vmem>> -> memref<320x128xf32, #tpu.memory_space<vmem>>
      %dma_wait3A_19 = arith.constant 0 : i32
      %dma_wait3A_20 = tpu.memref_slice %arg12[%mul3A_2, %dma_wait3A_19] : memref<5120x128xf32, #tpu.memory_space<vmem_shared>> -> memref<320x128xf32, #tpu.memory_space<vmem_shared>>
      %dma_wait3A_21 = arith.constant 0 : i32
      %dma_wait3A_22 = tpu.memref_slice %arg12[%mul3A_2, %dma_wait3A_21] : memref<5120x128xf32, #tpu.memory_space<vmem_shared>> -> memref<320x128xf32, #tpu.memory_space<vmem_shared>>
      %dma_wait3A_23 = arith.constant 0 : i32
      %dma_wait3A_24 = arith.constant 0 : i32
      %dma_wait3A_25 = tpu.memref_slice %arg10[%dma_wait3A_23, %dma_wait3A_24] : memref<400x128xf32, #tpu.memory_space<vmem>> -> memref<320x128xf32, #tpu.memory_space<vmem>>
      tpu.wait_dma2 semaphore(%run_scoped3A : memref<!tpu.dma_semaphore, #tpu.memory_space<semaphore_mem>>) src(%dma_wait3A_25 : memref<320x128xf32, #tpu.memory_space<vmem>>) dst(%dma_wait3A_22 : memref<320x128xf32, #tpu.memory_space<vmem_shared>>)
      tpu.yield
    }) : () -> ()
    "tpu.region"() ({
      %run_scoped3A = tpu.sem_alloc : memref<!tpu.dma_semaphore, #tpu.memory_space<semaphore_mem>>
      tpu.enqueue_dma source(%arg5 : memref<5120xf32, #tpu.memory_space<hbm>>) target(%arg11 : memref<5120xf32, #tpu.memory_space<vmem>>) target_semaphore(%run_scoped3A : memref<!tpu.dma_semaphore, #tpu.memory_space<semaphore_mem>>)
      tpu.wait_dma2 semaphore(%run_scoped3A : memref<!tpu.dma_semaphore, #tpu.memory_space<semaphore_mem>>) src(%arg5 : memref<5120xf32, #tpu.memory_space<hbm>>) dst(%arg11 : memref<5120xf32, #tpu.memory_space<vmem>>)
      tpu.yield
    }) : () -> ()
    %barrier3A = arith.constant 0 : index
    tpu.barrier barrier_id(%barrier3A)
    %scan3A = arith.constant 0 : i32
    %scan3A_3 = arith.constant 50 : i32
    %scan3A_4 = arith.addi %scan3A, %scan3A_3 : i32
    %scan3A_5 = arith.constant 1 : i32
    scf.for %scan3A_8 = %scan3A to %scan3A_4 step %scan3A_5  : i32 {
      %mul3A_9 = arith.constant 20000 : i32
      %mul3A_10 = arith.muli %arg1, %mul3A_9 : i32
      %mul3A_11 = arith.constant 400 : i32
      %mul3A_12 = arith.muli %scan3A_8, %mul3A_11 : i32
      %add3A = arith.addi %mul3A_10, %mul3A_12 : i32
      "tpu.region"() ({
        %run_scoped3A = tpu.sem_alloc : memref<!tpu.dma_semaphore, #tpu.memory_space<semaphore_mem>>
        %dma_start3A = tpu.memref_slice %arg2[%add3A] : memref<320000xi32, #tpu.memory_space<hbm>> -> memref<400xi32, #tpu.memory_space<hbm>>
        %dma_start3A_628 = tpu.memref_slice %arg2[%add3A] : memref<320000xi32, #tpu.memory_space<hbm>> -> memref<400xi32, #tpu.memory_space<hbm>>
        tpu.enqueue_dma source(%dma_start3A_628 : memref<400xi32, #tpu.memory_space<hbm>>) target(%arg8 : memref<400xi32, #tpu.memory_space<vmem>>) target_semaphore(%run_scoped3A : memref<!tpu.dma_semaphore, #tpu.memory_space<semaphore_mem>>)
        %dma_wait3A = tpu.memref_slice %arg2[%add3A] : memref<320000xi32, #tpu.memory_space<hbm>> -> memref<400xi32, #tpu.memory_space<hbm>>
        %dma_wait3A_629 = tpu.memref_slice %arg2[%add3A] : memref<320000xi32, #tpu.memory_space<hbm>> -> memref<400xi32, #tpu.memory_space<hbm>>
        tpu.wait_dma2 semaphore(%run_scoped3A : memref<!tpu.dma_semaphore, #tpu.memory_space<semaphore_mem>>) src(%dma_wait3A_629 : memref<400xi32, #tpu.memory_space<hbm>>) dst(%arg8 : memref<400xi32, #tpu.memory_space<vmem>>)
        tpu.yield
      }) : () -> ()
      "tpu.region"() ({
        %run_scoped3A = tpu.sem_alloc : memref<!tpu.dma_semaphore, #tpu.memory_space<semaphore_mem>>
        %dma_start3A = arith.constant 0 : i32
        %dma_start3A_628 = tpu.memref_slice %arg3[%add3A, %dma_start3A] : memref<320000x128xf32, #tpu.memory_space<hbm>> -> memref<400x128xf32, #tpu.memory_space<hbm>>
        %dma_start3A_629 = arith.constant 0 : i32
        %dma_start3A_630 = tpu.memref_slice %arg3[%add3A, %dma_start3A_629] : memref<320000x128xf32, #tpu.memory_space<hbm>> -> memref<400x128xf32, #tpu.memory_space<hbm>>
        tpu.enqueue_dma source(%dma_start3A_630 : memref<400x128xf32, #tpu.memory_space<hbm>>) target(%arg10 : memref<400x128xf32, #tpu.memory_space<vmem>>) target_semaphore(%run_scoped3A : memref<!tpu.dma_semaphore, #tpu.memory_space<semaphore_mem>>)
        %dma_wait3A = arith.constant 0 : i32
        %dma_wait3A_631 = tpu.memref_slice %arg3[%add3A, %dma_wait3A] : memref<320000x128xf32, #tpu.memory_space<hbm>> -> memref<400x128xf32, #tpu.memory_space<hbm>>
        %dma_wait3A_632 = arith.constant 0 : i32
        %dma_wait3A_633 = tpu.memref_slice %arg3[%add3A, %dma_wait3A_632] : memref<320000x128xf32, #tpu.memory_space<hbm>> -> memref<400x128xf32, #tpu.memory_space<hbm>>
        tpu.wait_dma2 semaphore(%run_scoped3A : memref<!tpu.dma_semaphore, #tpu.memory_space<semaphore_mem>>) src(%dma_wait3A_633 : memref<400x128xf32, #tpu.memory_space<hbm>>) dst(%arg10 : memref<400x128xf32, #tpu.memory_space<vmem>>)
        tpu.yield
      }) : () -> ()
      %get3A = arith.constant 0 : index
      %get3A_13 = tpu.vector_load %arg8[%get3A] {strides = array<i32>} : memref<400xi32, #tpu.memory_space<vmem>>, vector<16xi32>,
      %sub3A = vector.broadcast %mul3A_0 : i32 to vector<16xi32>
      %sub3A_14 = arith.subi %get3A_13, %sub3A : vector<16xi32>
      %ge3A = arith.constant 0 : i32
      %ge3A_15 = vector.broadcast %ge3A : i32 to vector<16xi32>
      %ge3A_16 = arith.cmpi sge, %sub3A_14, %ge3A_15 : vector<16xi32>
      %lt3A = arith.constant 5000 : i32
      %lt3A_17 = vector.broadcast %lt3A : i32 to vector<16xi32>
      %lt3A_18 = arith.cmpi slt, %sub3A_14, %lt3A_17 : vector<16xi32>
      %and3A = arith.andi %ge3A_16, %lt3A_18 : vector<16xi1>
      %and3A_19 = arith.constant 63 : i32
      %and3A_20 = vector.broadcast %and3A_19 : i32 to vector<16xi32>
      %and3A_21 = arith.andi %get3A_13, %and3A_20 : vector<16xi32>
      %add3A_22 = arith.constant 5000 : i32
      %add3A_23 = vector.broadcast %add3A_22 : i32 to vector<16xi32>
      %add3A_24 = arith.addi %add3A_23, %and3A_21 : vector<16xi32>
      %select_n3A = arith.select %and3A, %sub3A_14, %add3A_24 : vector<16xi1>, vector<16xi32>
      %swap3A = arith.constant 0 : index
      %swap3A_25 = tpu.vector_load %arg9[%swap3A] {strides = array<i32>} : memref<400xi32, #tpu.memory_space<vmem>>, vector<16xi32>,
      tpu.vector_store %arg9[%swap3A], %select_n3A {strides = array<i32>} : memref<400xi32, #tpu.memory_space<vmem>>, vector<16xi32>,
      %broadcast_in_dim3A = arith.constant true
      %broadcast_in_dim3A_26 = vector.broadcast %broadcast_in_dim3A : i1 to vector<16xi1>
      %unique3A, %unique3A_27 = tpu.scan_count mask(%broadcast_in_dim3A_26 : vector<16xi1>) value(%select_n3A : vector<16xi32>) : vector<16xi1>, vector<16xi32>
      %convert_element_type3A = arith.sitofp %unique3A_27 : vector<16xi32> to vector<16xf32>
      tpu.vector_store_idx %arg11[%select_n3A], %convert_element_type3A masked %unique3A {add = true} : memref<5120xf32, #tpu.memory_space<vmem>>[vector<16xi32>], vector<16xf32>, vector<16xi1>
      %get3A_28 = arith.constant 16 : index
      %get3A_29 = tpu.vector_load %arg8[%get3A_28] {strides = array<i32>} : memref<400xi32, #tpu.memory_space<vmem>>, vector<16xi32>,
      %sub3A_30 = vector.broadcast %mul3A_0 : i32 to vector<16xi32>
      %sub3A_31 = arith.subi %get3A_29, %sub3A_30 : vector<16xi32>
      %ge3A_32 = arith.constant 0 : i32
      %ge3A_33 = vector.broadcast %ge3A_32 : i32 to vector<16xi32>
      %ge3A_34 = arith.cmpi sge, %sub3A_31, %ge3A_33 : vector<16xi32>
      %lt3A_35 = arith.constant 5000 : i32
      %lt3A_36 = vector.broadcast %lt3A_35 : i32 to vector<16xi32>
      %lt3A_37 = arith.cmpi slt, %sub3A_31, %lt3A_36 : vector<16xi32>
      %and3A_38 = arith.andi %ge3A_34, %lt3A_37 : vector<16xi1>
      %and3A_39 = arith.constant 63 : i32
      %and3A_40 = vector.broadcast %and3A_39 : i32 to vector<16xi32>
      %and3A_41 = arith.andi %get3A_29, %and3A_40 : vector<16xi32>
      %add3A_42 = arith.constant 5000 : i32
      %add3A_43 = vector.broadcast %add3A_42 : i32 to vector<16xi32>
      %add3A_44 = arith.addi %add3A_43, %and3A_41 : vector<16xi32>
      %select_n3A_45 = arith.select %and3A_38, %sub3A_31, %add3A_44 : vector<16xi1>, vector<16xi32>
      %swap3A_46 = arith.constant 16 : index
      %swap3A_47 = tpu.vector_load %arg9[%swap3A_46] {strides = array<i32>} : memref<400xi32, #tpu.memory_space<vmem>>, vector<16xi32>,
      tpu.vector_store %arg9[%swap3A_46], %select_n3A_45 {strides = array<i32>} : memref<400xi32, #tpu.memory_space<vmem>>, vector<16xi32>,
      %broadcast_in_dim3A_48 = arith.constant true
      %broadcast_in_dim3A_49 = vector.broadcast %broadcast_in_dim3A_48 : i1 to vector<16xi1>
      %unique3A_50, %unique3A_51 = tpu.scan_count mask(%broadcast_in_dim3A_49 : vector<16xi1>) value(%select_n3A_45 : vector<16xi32>) : vector<16xi1>, vector<16xi32>
      %convert_element_type3A_52 = arith.sitofp %unique3A_51 : vector<16xi32> to vector<16xf32>
      tpu.vector_store_idx %arg11[%select_n3A_45], %convert_element_type3A_52 masked %unique3A_50 {add = true} : memref<5120xf32, #tpu.memory_space<vmem>>[vector<16xi32>], vector<16xf32>, vector<16xi1>
      %get3A_53 = arith.constant 32 : index
      %get3A_54 = tpu.vector_load %arg8[%get3A_53] {strides = array<i32>} : memref<400xi32, #tpu.memory_space<vmem>>, vector<16xi32>,
      %sub3A_55 = vector.broadcast %mul3A_0 : i32 to vector<16xi32>
      %sub3A_56 = arith.subi %get3A_54, %sub3A_55 : vector<16xi32>
      %ge3A_57 = arith.constant 0 : i32
      %ge3A_58 = vector.broadcast %ge3A_57 : i32 to vector<16xi32>
      %ge3A_59 = arith.cmpi sge, %sub3A_56, %ge3A_58 : vector<16xi32>
      %lt3A_60 = arith.constant 5000 : i32
      %lt3A_61 = vector.broadcast %lt3A_60 : i32 to vector<16xi32>
      %lt3A_62 = arith.cmpi slt, %sub3A_56, %lt3A_61 : vector<16xi32>
      %and3A_63 = arith.andi %ge3A_59, %lt3A_62 : vector<16xi1>
      %and3A_64 = arith.constant 63 : i32
      %and3A_65 = vector.broadcast %and3A_64 : i32 to vector<16xi32>
      %and3A_66 = arith.andi %get3A_54, %and3A_65 : vector<16xi32>
      %add3A_67 = arith.constant 5000 : i32
      %add3A_68 = vector.broadcast %add3A_67 : i32 to vector<16xi32>
      %add3A_69 = arith.addi %add3A_68, %and3A_66 : vector<16xi32>
      %select_n3A_70 = arith.select %and3A_63, %sub3A_56, %add3A_69 : vector<16xi1>, vector<16xi32>
      %swap3A_71 = arith.constant 32 : index
      %swap3A_72 = tpu.vector_load %arg9[%swap3A_71] {strides = array<i32>} : memref<400xi32, #tpu.memory_space<vmem>>, vector<16xi32>,
      tpu.vector_store %arg9[%swap3A_71], %select_n3A_70 {strides = array<i32>} : memref<400xi32, #tpu.memory_space<vmem>>, vector<16xi32>,
      %broadcast_in_dim3A_73 = arith.constant true
      %broadcast_in_dim3A_74 = vector.broadcast %broadcast_in_dim3A_73 : i1 to vector<16xi1>
      %unique3A_75, %unique3A_76 = tpu.scan_count mask(%broadcast_in_dim3A_74 : vector<16xi1>) value(%select_n3A_70 : vector<16xi32>) : vector<16xi1>, vector<16xi32>
      %convert_element_type3A_77 = arith.sitofp %unique3A_76 : vector<16xi32> to vector<16xf32>
      tpu.vector_store_idx %arg11[%select_n3A_70], %convert_element_type3A_77 masked %unique3A_75 {add = true} : memref<5120xf32, #tpu.memory_space<vmem>>[vector<16xi32>], vector<16xf32>, vector<16xi1>
      %get3A_78 = arith.constant 48 : index
      %get3A_79 = tpu.vector_load %arg8[%get3A_78] {strides = array<i32>} : memref<400xi32, #tpu.memory_space<vmem>>, vector<16xi32>,
      %sub3A_80 = vector.broadcast %mul3A_0 : i32 to vector<16xi32>
      %sub3A_81 = arith.subi %get3A_79, %sub3A_80 : vector<16xi32>
      %ge3A_82 = arith.constant 0 : i32
      %ge3A_83 = vector.broadcast %ge3A_82 : i32 to vector<16xi32>
      %ge3A_84 = arith.cmpi sge, %sub3A_81, %ge3A_83 : vector<16xi32>
      %lt3A_85 = arith.constant 5000 : i32
      %lt3A_86 = vector.broadcast %lt3A_85 : i32 to vector<16xi32>
      %lt3A_87 = arith.cmpi slt, %sub3A_81, %lt3A_86 : vector<16xi32>
      %and3A_88 = arith.andi %ge3A_84, %lt3A_87 : vector<16xi1>
      %and3A_89 = arith.constant 63 : i32
      %and3A_90 = vector.broadcast %and3A_89 : i32 to vector<16xi32>
      %and3A_91 = arith.andi %get3A_79, %and3A_90 : vector<16xi32>
      %add3A_92 = arith.constant 5000 : i32
      %add3A_93 = vector.broadcast %add3A_92 : i32 to vector<16xi32>
      %add3A_94 = arith.addi %add3A_93, %and3A_91 : vector<16xi32>
      %select_n3A_95 = arith.select %and3A_88, %sub3A_81, %add3A_94 : vector<16xi1>, vector<16xi32>
      %swap3A_96 = arith.constant 48 : index
      %swap3A_97 = tpu.vector_load %arg9[%swap3A_96] {strides = array<i32>} : memref<400xi32, #tpu.memory_space<vmem>>, vector<16xi32>,
      tpu.vector_store %arg9[%swap3A_96], %select_n3A_95 {strides = array<i32>} : memref<400xi32, #tpu.memory_space<vmem>>, vector<16xi32>,
      %broadcast_in_dim3A_98 = arith.constant true
      %broadcast_in_dim3A_99 = vector.broadcast %broadcast_in_dim3A_98 : i1 to vector<16xi1>
      %unique3A_100, %unique3A_101 = tpu.scan_count mask(%broadcast_in_dim3A_99 : vector<16xi1>) value(%select_n3A_95 : vector<16xi32>) : vector<16xi1>, vector<16xi32>
      %convert_element_type3A_102 = arith.sitofp %unique3A_101 : vector<16xi32> to vector<16xf32>
      tpu.vector_store_idx %arg11[%select_n3A_95], %convert_element_type3A_102 masked %unique3A_100 {add = true} : memref<5120xf32, #tpu.memory_space<vmem>>[vector<16xi32>], vector<16xf32>, vector<16xi1>
      %get3A_103 = arith.constant 64 : index
      %get3A_104 = tpu.vector_load %arg8[%get3A_103] {strides = array<i32>} : memref<400xi32, #tpu.memory_space<vmem>>, vector<16xi32>,
      %sub3A_105 = vector.broadcast %mul3A_0 : i32 to vector<16xi32>
      %sub3A_106 = arith.subi %get3A_104, %sub3A_105 : vector<16xi32>
      %ge3A_107 = arith.constant 0 : i32
      %ge3A_108 = vector.broadcast %ge3A_107 : i32 to vector<16xi32>
      %ge3A_109 = arith.cmpi sge, %sub3A_106, %ge3A_108 : vector<16xi32>
      %lt3A_110 = arith.constant 5000 : i32
      %lt3A_111 = vector.broadcast %lt3A_110 : i32 to vector<16xi32>
      %lt3A_112 = arith.cmpi slt, %sub3A_106, %lt3A_111 : vector<16xi32>
      %and3A_113 = arith.andi %ge3A_109, %lt3A_112 : vector<16xi1>
      %and3A_114 = arith.constant 63 : i32
      %and3A_115 = vector.broadcast %and3A_114 : i32 to vector<16xi32>
      %and3A_116 = arith.andi %get3A_104, %and3A_115 : vector<16xi32>
      %add3A_117 = arith.constant 5000 : i32
      %add3A_118 = vector.broadcast %add3A_117 : i32 to vector<16xi32>
      %add3A_119 = arith.addi %add3A_118, %and3A_116 : vector<16xi32>
      %select_n3A_120 = arith.select %and3A_113, %sub3A_106, %add3A_119 : vector<16xi1>, vector<16xi32>
      %swap3A_121 = arith.constant 64 : index
      %swap3A_122 = tpu.vector_load %arg9[%swap3A_121] {strides = array<i32>} : memref<400xi32, #tpu.memory_space<vmem>>, vector<16xi32>,
      tpu.vector_store %arg9[%swap3A_121], %select_n3A_120 {strides = array<i32>} : memref<400xi32, #tpu.memory_space<vmem>>, vector<16xi32>,
      %broadcast_in_dim3A_123 = arith.constant true
      %broadcast_in_dim3A_124 = vector.broadcast %broadcast_in_dim3A_123 : i1 to vector<16xi1>
      %unique3A_125, %unique3A_126 = tpu.scan_count mask(%broadcast_in_dim3A_124 : vector<16xi1>) value(%select_n3A_120 : vector<16xi32>) : vector<16xi1>, vector<16xi32>
      %convert_element_type3A_127 = arith.sitofp %unique3A_126 : vector<16xi32> to vector<16xf32>
      tpu.vector_store_idx %arg11[%select_n3A_120], %convert_element_type3A_127 masked %unique3A_125 {add = true} : memref<5120xf32, #tpu.memory_space<vmem>>[vector<16xi32>], vector<16xf32>, vector<16xi1>
      %get3A_128 = arith.constant 80 : index
      %get3A_129 = tpu.vector_load %arg8[%get3A_128] {strides = array<i32>} : memref<400xi32, #tpu.memory_space<vmem>>, vector<16xi32>,
      %sub3A_130 = vector.broadcast %mul3A_0 : i32 to vector<16xi32>
      %sub3A_131 = arith.subi %get3A_129, %sub3A_130 : vector<16xi32>
      %ge3A_132 = arith.constant 0 : i32
      %ge3A_133 = vector.broadcast %ge3A_132 : i32 to vector<16xi32>
      %ge3A_134 = arith.cmpi sge, %sub3A_131, %ge3A_133 : vector<16xi32>
      %lt3A_135 = arith.constant 5000 : i32
      %lt3A_136 = vector.broadcast %lt3A_135 : i32 to vector<16xi32>
      %lt3A_137 = arith.cmpi slt, %sub3A_131, %lt3A_136 : vector<16xi32>
      %and3A_138 = arith.andi %ge3A_134, %lt3A_137 : vector<16xi1>
      %and3A_139 = arith.constant 63 : i32
      %and3A_140 = vector.broadcast %and3A_139 : i32 to vector<16xi32>
      %and3A_141 = arith.andi %get3A_129, %and3A_140 : vector<16xi32>
      %add3A_142 = arith.constant 5000 : i32
      %add3A_143 = vector.broadcast %add3A_142 : i32 to vector<16xi32>
      %add3A_144 = arith.addi %add3A_143, %and3A_141 : vector<16xi32>
      %select_n3A_145 = arith.select %and3A_138, %sub3A_131, %add3A_144 : vector<16xi1>, vector<16xi32>
      %swap3A_146 = arith.constant 80 : index
      %swap3A_147 = tpu.vector_load %arg9[%swap3A_146] {strides = array<i32>} : memref<400xi32, #tpu.memory_space<vmem>>, vector<16xi32>,
      tpu.vector_store %arg9[%swap3A_146], %select_n3A_145 {strides = array<i32>} : memref<400xi32, #tpu.memory_space<vmem>>, vector<16xi32>,
      %broadcast_in_dim3A_148 = arith.constant true
      %broadcast_in_dim3A_149 = vector.broadcast %broadcast_in_dim3A_148 : i1 to vector<16xi1>
      %unique3A_150, %unique3A_151 = tpu.scan_count mask(%broadcast_in_dim3A_149 : vector<16xi1>) value(%select_n3A_145 : vector<16xi32>) : vector<16xi1>, vector<16xi32>
      %convert_element_type3A_152 = arith.sitofp %unique3A_151 : vector<16xi32> to vector<16xf32>
      tpu.vector_store_idx %arg11[%select_n3A_145], %convert_element_type3A_152 masked %unique3A_150 {add = true} : memref<5120xf32, #tpu.memory_space<vmem>>[vector<16xi32>], vector<16xf32>, vector<16xi1>
      %get3A_153 = arith.constant 96 : index
      %get3A_154 = tpu.vector_load %arg8[%get3A_153] {strides = array<i32>} : memref<400xi32, #tpu.memory_space<vmem>>, vector<16xi32>,
      %sub3A_155 = vector.broadcast %mul3A_0 : i32 to vector<16xi32>
      %sub3A_156 = arith.subi %get3A_154, %sub3A_155 : vector<16xi32>
      %ge3A_157 = arith.constant 0 : i32
      %ge3A_158 = vector.broadcast %ge3A_157 : i32 to vector<16xi32>
      %ge3A_159 = arith.cmpi sge, %sub3A_156, %ge3A_158 : vector<16xi32>
      %lt3A_160 = arith.constant 5000 : i32
      %lt3A_161 = vector.broadcast %lt3A_160 : i32 to vector<16xi32>
      %lt3A_162 = arith.cmpi slt, %sub3A_156, %lt3A_161 : vector<16xi32>
      %and3A_163 = arith.andi %ge3A_159, %lt3A_162 : vector<16xi1>
      %and3A_164 = arith.constant 63 : i32
      %and3A_165 = vector.broadcast %and3A_164 : i32 to vector<16xi32>
      %and3A_166 = arith.andi %get3A_154, %and3A_165 : vector<16xi32>
      %add3A_167 = arith.constant 5000 : i32
      %add3A_168 = vector.broadcast %add3A_167 : i32 to vector<16xi32>
      %add3A_169 = arith.addi %add3A_168, %and3A_166 : vector<16xi32>
      %select_n3A_170 = arith.select %and3A_163, %sub3A_156, %add3A_169 : vector<16xi1>, vector<16xi32>
      %swap3A_171 = arith.constant 96 : index
      %swap3A_172 = tpu.vector_load %arg9[%swap3A_171] {strides = array<i32>} : memref<400xi32, #tpu.memory_space<vmem>>, vector<16xi32>,
      tpu.vector_store %arg9[%swap3A_171], %select_n3A_170 {strides = array<i32>} : memref<400xi32, #tpu.memory_space<vmem>>, vector<16xi32>,
      %broadcast_in_dim3A_173 = arith.constant true
      %broadcast_in_dim3A_174 = vector.broadcast %broadcast_in_dim3A_173 : i1 to vector<16xi1>
      %unique3A_175, %unique3A_176 = tpu.scan_count mask(%broadcast_in_dim3A_174 : vector<16xi1>) value(%select_n3A_170 : vector<16xi32>) : vector<16xi1>, vector<16xi32>
      %convert_element_type3A_177 = arith.sitofp %unique3A_176 : vector<16xi32> to vector<16xf32>
      tpu.vector_store_idx %arg11[%select_n3A_170], %convert_element_type3A_177 masked %unique3A_175 {add = true} : memref<5120xf32, #tpu.memory_space<vmem>>[vector<16xi32>], vector<16xf32>, vector<16xi1>
      %get3A_178 = arith.constant 112 : index
      %get3A_179 = tpu.vector_load %arg8[%get3A_178] {strides = array<i32>} : memref<400xi32, #tpu.memory_space<vmem>>, vector<16xi32>,
      %sub3A_180 = vector.broadcast %mul3A_0 : i32 to vector<16xi32>
      %sub3A_181 = arith.subi %get3A_179, %sub3A_180 : vector<16xi32>
      %ge3A_182 = arith.constant 0 : i32
      %ge3A_183 = vector.broadcast %ge3A_182 : i32 to vector<16xi32>
      %ge3A_184 = arith.cmpi sge, %sub3A_181, %ge3A_183 : vector<16xi32>
      %lt3A_185 = arith.constant 5000 : i32
      %lt3A_186 = vector.broadcast %lt3A_185 : i32 to vector<16xi32>
      %lt3A_187 = arith.cmpi slt, %sub3A_181, %lt3A_186 : vector<16xi32>
      %and3A_188 = arith.andi %ge3A_184, %lt3A_187 : vector<16xi1>
      %and3A_189 = arith.constant 63 : i32
      %and3A_190 = vector.broadcast %and3A_189 : i32 to vector<16xi32>
      %and3A_191 = arith.andi %get3A_179, %and3A_190 : vector<16xi32>
      %add3A_192 = arith.constant 5000 : i32
      %add3A_193 = vector.broadcast %add3A_192 : i32 to vector<16xi32>
      %add3A_194 = arith.addi %add3A_193, %and3A_191 : vector<16xi32>
      %select_n3A_195 = arith.select %and3A_188, %sub3A_181, %add3A_194 : vector<16xi1>, vector<16xi32>
      %swap3A_196 = arith.constant 112 : index
      %swap3A_197 = tpu.vector_load %arg9[%swap3A_196] {strides = array<i32>} : memref<400xi32, #tpu.memory_space<vmem>>, vector<16xi32>,
      tpu.vector_store %arg9[%swap3A_196], %select_n3A_195 {strides = array<i32>} : memref<400xi32, #tpu.memory_space<vmem>>, vector<16xi32>,
      %broadcast_in_dim3A_198 = arith.constant true
      %broadcast_in_dim3A_199 = vector.broadcast %broadcast_in_dim3A_198 : i1 to vector<16xi1>
      %unique3A_200, %unique3A_201 = tpu.scan_count mask(%broadcast_in_dim3A_199 : vector<16xi1>) value(%select_n3A_195 : vector<16xi32>) : vector<16xi1>, vector<16xi32>
      %convert_element_type3A_202 = arith.sitofp %unique3A_201 : vector<16xi32> to vector<16xf32>
      tpu.vector_store_idx %arg11[%select_n3A_195], %convert_element_type3A_202 masked %unique3A_200 {add = true} : memref<5120xf32, #tpu.memory_space<vmem>>[vector<16xi32>], vector<16xf32>, vector<16xi1>
      %get3A_203 = arith.constant 128 : index
      %get3A_204 = tpu.vector_load %arg8[%get3A_203] {strides = array<i32>} : memref<400xi32, #tpu.memory_space<vmem>>, vector<16xi32>,
      %sub3A_205 = vector.broadcast %mul3A_0 : i32 to vector<16xi32>
      %sub3A_206 = arith.subi %get3A_204, %sub3A_205 : vector<16xi32>
      %ge3A_207 = arith.constant 0 : i32
      %ge3A_208 = vector.broadcast %ge3A_207 : i32 to vector<16xi32>
      %ge3A_209 = arith.cmpi sge, %sub3A_206, %ge3A_208 : vector<16xi32>
      %lt3A_210 = arith.constant 5000 : i32
      %lt3A_211 = vector.broadcast %lt3A_210 : i32 to vector<16xi32>
      %lt3A_212 = arith.cmpi slt, %sub3A_206, %lt3A_211 : vector<16xi32>
      %and3A_213 = arith.andi %ge3A_209, %lt3A_212 : vector<16xi1>
      %and3A_214 = arith.constant 63 : i32
      %and3A_215 = vector.broadcast %and3A_214 : i32 to vector<16xi32>
      %and3A_216 = arith.andi %get3A_204, %and3A_215 : vector<16xi32>
      %add3A_217 = arith.constant 5000 : i32
      %add3A_218 = vector.broadcast %add3A_217 : i32 to vector<16xi32>
      %add3A_219 = arith.addi %add3A_218, %and3A_216 : vector<16xi32>
      %select_n3A_220 = arith.select %and3A_213, %sub3A_206, %add3A_219 : vector<16xi1>, vector<16xi32>
      %swap3A_221 = arith.constant 128 : index
      %swap3A_222 = tpu.vector_load %arg9[%swap3A_221] {strides = array<i32>} : memref<400xi32, #tpu.memory_space<vmem>>, vector<16xi32>,
      tpu.vector_store %arg9[%swap3A_221], %select_n3A_220 {strides = array<i32>} : memref<400xi32, #tpu.memory_space<vmem>>, vector<16xi32>,
      %broadcast_in_dim3A_223 = arith.constant true
      %broadcast_in_dim3A_224 = vector.broadcast %broadcast_in_dim3A_223 : i1 to vector<16xi1>
      %unique3A_225, %unique3A_226 = tpu.scan_count mask(%broadcast_in_dim3A_224 : vector<16xi1>) value(%select_n3A_220 : vector<16xi32>) : vector<16xi1>, vector<16xi32>
      %convert_element_type3A_227 = arith.sitofp %unique3A_226 : vector<16xi32> to vector<16xf32>
      tpu.vector_store_idx %arg11[%select_n3A_220], %convert_element_type3A_227 masked %unique3A_225 {add = true} : memref<5120xf32, #tpu.memory_space<vmem>>[vector<16xi32>], vector<16xf32>, vector<16xi1>
      %get3A_228 = arith.constant 144 : index
      %get3A_229 = tpu.vector_load %arg8[%get3A_228] {strides = array<i32>} : memref<400xi32, #tpu.memory_space<vmem>>, vector<16xi32>,
      %sub3A_230 = vector.broadcast %mul3A_0 : i32 to vector<16xi32>
      %sub3A_231 = arith.subi %get3A_229, %sub3A_230 : vector<16xi32>
      %ge3A_232 = arith.constant 0 : i32
      %ge3A_233 = vector.broadcast %ge3A_232 : i32 to vector<16xi32>
      %ge3A_234 = arith.cmpi sge, %sub3A_231, %ge3A_233 : vector<16xi32>
      %lt3A_235 = arith.constant 5000 : i32
      %lt3A_236 = vector.broadcast %lt3A_235 : i32 to vector<16xi32>
      %lt3A_237 = arith.cmpi slt, %sub3A_231, %lt3A_236 : vector<16xi32>
      %and3A_238 = arith.andi %ge3A_234, %lt3A_237 : vector<16xi1>
      %and3A_239 = arith.constant 63 : i32
      %and3A_240 = vector.broadcast %and3A_239 : i32 to vector<16xi32>
      %and3A_241 = arith.andi %get3A_229, %and3A_240 : vector<16xi32>
      %add3A_242 = arith.constant 5000 : i32
      %add3A_243 = vector.broadcast %add3A_242 : i32 to vector<16xi32>
      %add3A_244 = arith.addi %add3A_243, %and3A_241 : vector<16xi32>
      %select_n3A_245 = arith.select %and3A_238, %sub3A_231, %add3A_244 : vector<16xi1>, vector<16xi32>
      %swap3A_246 = arith.constant 144 : index
      %swap3A_247 = tpu.vector_load %arg9[%swap3A_246] {strides = array<i32>} : memref<400xi32, #tpu.memory_space<vmem>>, vector<16xi32>,
      tpu.vector_store %arg9[%swap3A_246], %select_n3A_245 {strides = array<i32>} : memref<400xi32, #tpu.memory_space<vmem>>, vector<16xi32>,
      %broadcast_in_dim3A_248 = arith.constant true
      %broadcast_in_dim3A_249 = vector.broadcast %broadcast_in_dim3A_248 : i1 to vector<16xi1>
      %unique3A_250, %unique3A_251 = tpu.scan_count mask(%broadcast_in_dim3A_249 : vector<16xi1>) value(%select_n3A_245 : vector<16xi32>) : vector<16xi1>, vector<16xi32>
      %convert_element_type3A_252 = arith.sitofp %unique3A_251 : vector<16xi32> to vector<16xf32>
      tpu.vector_store_idx %arg11[%select_n3A_245], %convert_element_type3A_252 masked %unique3A_250 {add = true} : memref<5120xf32, #tpu.memory_space<vmem>>[vector<16xi32>], vector<16xf32>, vector<16xi1>
      %get3A_253 = arith.constant 160 : index
      %get3A_254 = tpu.vector_load %arg8[%get3A_253] {strides = array<i32>} : memref<400xi32, #tpu.memory_space<vmem>>, vector<16xi32>,
      %sub3A_255 = vector.broadcast %mul3A_0 : i32 to vector<16xi32>
      %sub3A_256 = arith.subi %get3A_254, %sub3A_255 : vector<16xi32>
      %ge3A_257 = arith.constant 0 : i32
      %ge3A_258 = vector.broadcast %ge3A_257 : i32 to vector<16xi32>
      %ge3A_259 = arith.cmpi sge, %sub3A_256, %ge3A_258 : vector<16xi32>
      %lt3A_260 = arith.constant 5000 : i32
      %lt3A_261 = vector.broadcast %lt3A_260 : i32 to vector<16xi32>
      %lt3A_262 = arith.cmpi slt, %sub3A_256, %lt3A_261 : vector<16xi32>
      %and3A_263 = arith.andi %ge3A_259, %lt3A_262 : vector<16xi1>
      %and3A_264 = arith.constant 63 : i32
      %and3A_265 = vector.broadcast %and3A_264 : i32 to vector<16xi32>
      %and3A_266 = arith.andi %get3A_254, %and3A_265 : vector<16xi32>
      %add3A_267 = arith.constant 5000 : i32
      %add3A_268 = vector.broadcast %add3A_267 : i32 to vector<16xi32>
      %add3A_269 = arith.addi %add3A_268, %and3A_266 : vector<16xi32>
      %select_n3A_270 = arith.select %and3A_263, %sub3A_256, %add3A_269 : vector<16xi1>, vector<16xi32>
      %swap3A_271 = arith.constant 160 : index
      %swap3A_272 = tpu.vector_load %arg9[%swap3A_271] {strides = array<i32>} : memref<400xi32, #tpu.memory_space<vmem>>, vector<16xi32>,
      tpu.vector_store %arg9[%swap3A_271], %select_n3A_270 {strides = array<i32>} : memref<400xi32, #tpu.memory_space<vmem>>, vector<16xi32>,
      %broadcast_in_dim3A_273 = arith.constant true
      %broadcast_in_dim3A_274 = vector.broadcast %broadcast_in_dim3A_273 : i1 to vector<16xi1>
      %unique3A_275, %unique3A_276 = tpu.scan_count mask(%broadcast_in_dim3A_274 : vector<16xi1>) value(%select_n3A_270 : vector<16xi32>) : vector<16xi1>, vector<16xi32>
      %convert_element_type3A_277 = arith.sitofp %unique3A_276 : vector<16xi32> to vector<16xf32>
      tpu.vector_store_idx %arg11[%select_n3A_270], %convert_element_type3A_277 masked %unique3A_275 {add = true} : memref<5120xf32, #tpu.memory_space<vmem>>[vector<16xi32>], vector<16xf32>, vector<16xi1>
      %get3A_278 = arith.constant 176 : index
      %get3A_279 = tpu.vector_load %arg8[%get3A_278] {strides = array<i32>} : memref<400xi32, #tpu.memory_space<vmem>>, vector<16xi32>,
      %sub3A_280 = vector.broadcast %mul3A_0 : i32 to vector<16xi32>
      %sub3A_281 = arith.subi %get3A_279, %sub3A_280 : vector<16xi32>
      %ge3A_282 = arith.constant 0 : i32
      %ge3A_283 = vector.broadcast %ge3A_282 : i32 to vector<16xi32>
      %ge3A_284 = arith.cmpi sge, %sub3A_281, %ge3A_283 : vector<16xi32>
      %lt3A_285 = arith.constant 5000 : i32
      %lt3A_286 = vector.broadcast %lt3A_285 : i32 to vector<16xi32>
      %lt3A_287 = arith.cmpi slt, %sub3A_281, %lt3A_286 : vector<16xi32>
      %and3A_288 = arith.andi %ge3A_284, %lt3A_287 : vector<16xi1>
      %and3A_289 = arith.constant 63 : i32
      %and3A_290 = vector.broadcast %and3A_289 : i32 to vector<16xi32>
      %and3A_291 = arith.andi %get3A_279, %and3A_290 : vector<16xi32>
      %add3A_292 = arith.constant 5000 : i32
      %add3A_293 = vector.broadcast %add3A_292 : i32 to vector<16xi32>
      %add3A_294 = arith.addi %add3A_293, %and3A_291 : vector<16xi32>
      %select_n3A_295 = arith.select %and3A_288, %sub3A_281, %add3A_294 : vector<16xi1>, vector<16xi32>
      %swap3A_296 = arith.constant 176 : index
      %swap3A_297 = tpu.vector_load %arg9[%swap3A_296] {strides = array<i32>} : memref<400xi32, #tpu.memory_space<vmem>>, vector<16xi32>,
      tpu.vector_store %arg9[%swap3A_296], %select_n3A_295 {strides = array<i32>} : memref<400xi32, #tpu.memory_space<vmem>>, vector<16xi32>,
      %broadcast_in_dim3A_298 = arith.constant true
      %broadcast_in_dim3A_299 = vector.broadcast %broadcast_in_dim3A_298 : i1 to vector<16xi1>
      %unique3A_300, %unique3A_301 = tpu.scan_count mask(%broadcast_in_dim3A_299 : vector<16xi1>) value(%select_n3A_295 : vector<16xi32>) : vector<16xi1>, vector<16xi32>
      %convert_element_type3A_302 = arith.sitofp %unique3A_301 : vector<16xi32> to vector<16xf32>
      tpu.vector_store_idx %arg11[%select_n3A_295], %convert_element_type3A_302 masked %unique3A_300 {add = true} : memref<5120xf32, #tpu.memory_space<vmem>>[vector<16xi32>], vector<16xf32>, vector<16xi1>
      %get3A_303 = arith.constant 192 : index
      %get3A_304 = tpu.vector_load %arg8[%get3A_303] {strides = array<i32>} : memref<400xi32, #tpu.memory_space<vmem>>, vector<16xi32>,
      %sub3A_305 = vector.broadcast %mul3A_0 : i32 to vector<16xi32>
      %sub3A_306 = arith.subi %get3A_304, %sub3A_305 : vector<16xi32>
      %ge3A_307 = arith.constant 0 : i32
      %ge3A_308 = vector.broadcast %ge3A_307 : i32 to vector<16xi32>
      %ge3A_309 = arith.cmpi sge, %sub3A_306, %ge3A_308 : vector<16xi32>
      %lt3A_310 = arith.constant 5000 : i32
      %lt3A_311 = vector.broadcast %lt3A_310 : i32 to vector<16xi32>
      %lt3A_312 = arith.cmpi slt, %sub3A_306, %lt3A_311 : vector<16xi32>
      %and3A_313 = arith.andi %ge3A_309, %lt3A_312 : vector<16xi1>
      %and3A_314 = arith.constant 63 : i32
      %and3A_315 = vector.broadcast %and3A_314 : i32 to vector<16xi32>
      %and3A_316 = arith.andi %get3A_304, %and3A_315 : vector<16xi32>
      %add3A_317 = arith.constant 5000 : i32
      %add3A_318 = vector.broadcast %add3A_317 : i32 to vector<16xi32>
      %add3A_319 = arith.addi %add3A_318, %and3A_316 : vector<16xi32>
      %select_n3A_320 = arith.select %and3A_313, %sub3A_306, %add3A_319 : vector<16xi1>, vector<16xi32>
      %swap3A_321 = arith.constant 192 : index
      %swap3A_322 = tpu.vector_load %arg9[%swap3A_321] {strides = array<i32>} : memref<400xi32, #tpu.memory_space<vmem>>, vector<16xi32>,
      tpu.vector_store %arg9[%swap3A_321], %select_n3A_320 {strides = array<i32>} : memref<400xi32, #tpu.memory_space<vmem>>, vector<16xi32>,
      %broadcast_in_dim3A_323 = arith.constant true
      %broadcast_in_dim3A_324 = vector.broadcast %broadcast_in_dim3A_323 : i1 to vector<16xi1>
      %unique3A_325, %unique3A_326 = tpu.scan_count mask(%broadcast_in_dim3A_324 : vector<16xi1>) value(%select_n3A_320 : vector<16xi32>) : vector<16xi1>, vector<16xi32>
      %convert_element_type3A_327 = arith.sitofp %unique3A_326 : vector<16xi32> to vector<16xf32>
      tpu.vector_store_idx %arg11[%select_n3A_320], %convert_element_type3A_327 masked %unique3A_325 {add = true} : memref<5120xf32, #tpu.memory_space<vmem>>[vector<16xi32>], vector<16xf32>, vector<16xi1>
      %get3A_328 = arith.constant 208 : index
      %get3A_329 = tpu.vector_load %arg8[%get3A_328] {strides = array<i32>} : memref<400xi32, #tpu.memory_space<vmem>>, vector<16xi32>,
      %sub3A_330 = vector.broadcast %mul3A_0 : i32 to vector<16xi32>
      %sub3A_331 = arith.subi %get3A_329, %sub3A_330 : vector<16xi32>
      %ge3A_332 = arith.constant 0 : i32
      %ge3A_333 = vector.broadcast %ge3A_332 : i32 to vector<16xi32>
      %ge3A_334 = arith.cmpi sge, %sub3A_331, %ge3A_333 : vector<16xi32>
      %lt3A_335 = arith.constant 5000 : i32
      %lt3A_336 = vector.broadcast %lt3A_335 : i32 to vector<16xi32>
      %lt3A_337 = arith.cmpi slt, %sub3A_331, %lt3A_336 : vector<16xi32>
      %and3A_338 = arith.andi %ge3A_334, %lt3A_337 : vector<16xi1>
      %and3A_339 = arith.constant 63 : i32
      %and3A_340 = vector.broadcast %and3A_339 : i32 to vector<16xi32>
      %and3A_341 = arith.andi %get3A_329, %and3A_340 : vector<16xi32>
      %add3A_342 = arith.constant 5000 : i32
      %add3A_343 = vector.broadcast %add3A_342 : i32 to vector<16xi32>
      %add3A_344 = arith.addi %add3A_343, %and3A_341 : vector<16xi32>
      %select_n3A_345 = arith.select %and3A_338, %sub3A_331, %add3A_344 : vector<16xi1>, vector<16xi32>
      %swap3A_346 = arith.constant 208 : index
      %swap3A_347 = tpu.vector_load %arg9[%swap3A_346] {strides = array<i32>} : memref<400xi32, #tpu.memory_space<vmem>>, vector<16xi32>,
      tpu.vector_store %arg9[%swap3A_346], %select_n3A_345 {strides = array<i32>} : memref<400xi32, #tpu.memory_space<vmem>>, vector<16xi32>,
      %broadcast_in_dim3A_348 = arith.constant true
      %broadcast_in_dim3A_349 = vector.broadcast %broadcast_in_dim3A_348 : i1 to vector<16xi1>
      %unique3A_350, %unique3A_351 = tpu.scan_count mask(%broadcast_in_dim3A_349 : vector<16xi1>) value(%select_n3A_345 : vector<16xi32>) : vector<16xi1>, vector<16xi32>
      %convert_element_type3A_352 = arith.sitofp %unique3A_351 : vector<16xi32> to vector<16xf32>
      tpu.vector_store_idx %arg11[%select_n3A_345], %convert_element_type3A_352 masked %unique3A_350 {add = true} : memref<5120xf32, #tpu.memory_space<vmem>>[vector<16xi32>], vector<16xf32>, vector<16xi1>
      %get3A_353 = arith.constant 224 : index
      %get3A_354 = tpu.vector_load %arg8[%get3A_353] {strides = array<i32>} : memref<400xi32, #tpu.memory_space<vmem>>, vector<16xi32>,
      %sub3A_355 = vector.broadcast %mul3A_0 : i32 to vector<16xi32>
      %sub3A_356 = arith.subi %get3A_354, %sub3A_355 : vector<16xi32>
      %ge3A_357 = arith.constant 0 : i32
      %ge3A_358 = vector.broadcast %ge3A_357 : i32 to vector<16xi32>
      %ge3A_359 = arith.cmpi sge, %sub3A_356, %ge3A_358 : vector<16xi32>
      %lt3A_360 = arith.constant 5000 : i32
      %lt3A_361 = vector.broadcast %lt3A_360 : i32 to vector<16xi32>
      %lt3A_362 = arith.cmpi slt, %sub3A_356, %lt3A_361 : vector<16xi32>
      %and3A_363 = arith.andi %ge3A_359, %lt3A_362 : vector<16xi1>
      %and3A_364 = arith.constant 63 : i32
      %and3A_365 = vector.broadcast %and3A_364 : i32 to vector<16xi32>
      %and3A_366 = arith.andi %get3A_354, %and3A_365 : vector<16xi32>
      %add3A_367 = arith.constant 5000 : i32
      %add3A_368 = vector.broadcast %add3A_367 : i32 to vector<16xi32>
      %add3A_369 = arith.addi %add3A_368, %and3A_366 : vector<16xi32>
      %select_n3A_370 = arith.select %and3A_363, %sub3A_356, %add3A_369 : vector<16xi1>, vector<16xi32>
      %swap3A_371 = arith.constant 224 : index
      %swap3A_372 = tpu.vector_load %arg9[%swap3A_371] {strides = array<i32>} : memref<400xi32, #tpu.memory_space<vmem>>, vector<16xi32>,
      tpu.vector_store %arg9[%swap3A_371], %select_n3A_370 {strides = array<i32>} : memref<400xi32, #tpu.memory_space<vmem>>, vector<16xi32>,
      %broadcast_in_dim3A_373 = arith.constant true
      %broadcast_in_dim3A_374 = vector.broadcast %broadcast_in_dim3A_373 : i1 to vector<16xi1>
      %unique3A_375, %unique3A_376 = tpu.scan_count mask(%broadcast_in_dim3A_374 : vector<16xi1>) value(%select_n3A_370 : vector<16xi32>) : vector<16xi1>, vector<16xi32>
      %convert_element_type3A_377 = arith.sitofp %unique3A_376 : vector<16xi32> to vector<16xf32>
      tpu.vector_store_idx %arg11[%select_n3A_370], %convert_element_type3A_377 masked %unique3A_375 {add = true} : memref<5120xf32, #tpu.memory_space<vmem>>[vector<16xi32>], vector<16xf32>, vector<16xi1>
      %get3A_378 = arith.constant 240 : index
      %get3A_379 = tpu.vector_load %arg8[%get3A_378] {strides = array<i32>} : memref<400xi32, #tpu.memory_space<vmem>>, vector<16xi32>,
      %sub3A_380 = vector.broadcast %mul3A_0 : i32 to vector<16xi32>
      %sub3A_381 = arith.subi %get3A_379, %sub3A_380 : vector<16xi32>
      %ge3A_382 = arith.constant 0 : i32
      %ge3A_383 = vector.broadcast %ge3A_382 : i32 to vector<16xi32>
      %ge3A_384 = arith.cmpi sge, %sub3A_381, %ge3A_383 : vector<16xi32>
      %lt3A_385 = arith.constant 5000 : i32
      %lt3A_386 = vector.broadcast %lt3A_385 : i32 to vector<16xi32>
      %lt3A_387 = arith.cmpi slt, %sub3A_381, %lt3A_386 : vector<16xi32>
      %and3A_388 = arith.andi %ge3A_384, %lt3A_387 : vector<16xi1>
      %and3A_389 = arith.constant 63 : i32
      %and3A_390 = vector.broadcast %and3A_389 : i32 to vector<16xi32>
      %and3A_391 = arith.andi %get3A_379, %and3A_390 : vector<16xi32>
      %add3A_392 = arith.constant 5000 : i32
      %add3A_393 = vector.broadcast %add3A_392 : i32 to vector<16xi32>
      %add3A_394 = arith.addi %add3A_393, %and3A_391 : vector<16xi32>
      %select_n3A_395 = arith.select %and3A_388, %sub3A_381, %add3A_394 : vector<16xi1>, vector<16xi32>
      %swap3A_396 = arith.constant 240 : index
      %swap3A_397 = tpu.vector_load %arg9[%swap3A_396] {strides = array<i32>} : memref<400xi32, #tpu.memory_space<vmem>>, vector<16xi32>,
      tpu.vector_store %arg9[%swap3A_396], %select_n3A_395 {strides = array<i32>} : memref<400xi32, #tpu.memory_space<vmem>>, vector<16xi32>,
      %broadcast_in_dim3A_398 = arith.constant true
      %broadcast_in_dim3A_399 = vector.broadcast %broadcast_in_dim3A_398 : i1 to vector<16xi1>
      %unique3A_400, %unique3A_401 = tpu.scan_count mask(%broadcast_in_dim3A_399 : vector<16xi1>) value(%select_n3A_395 : vector<16xi32>) : vector<16xi1>, vector<16xi32>
      %convert_element_type3A_402 = arith.sitofp %unique3A_401 : vector<16xi32> to vector<16xf32>
      tpu.vector_store_idx %arg11[%select_n3A_395], %convert_element_type3A_402 masked %unique3A_400 {add = true} : memref<5120xf32, #tpu.memory_space<vmem>>[vector<16xi32>], vector<16xf32>, vector<16xi1>
      %get3A_403 = arith.constant 256 : index
      %get3A_404 = tpu.vector_load %arg8[%get3A_403] {strides = array<i32>} : memref<400xi32, #tpu.memory_space<vmem>>, vector<16xi32>,
      %sub3A_405 = vector.broadcast %mul3A_0 : i32 to vector<16xi32>
      %sub3A_406 = arith.subi %get3A_404, %sub3A_405 : vector<16xi32>
      %ge3A_407 = arith.constant 0 : i32
      %ge3A_408 = vector.broadcast %ge3A_407 : i32 to vector<16xi32>
      %ge3A_409 = arith.cmpi sge, %sub3A_406, %ge3A_408 : vector<16xi32>
      %lt3A_410 = arith.constant 5000 : i32
      %lt3A_411 = vector.broadcast %lt3A_410 : i32 to vector<16xi32>
      %lt3A_412 = arith.cmpi slt, %sub3A_406, %lt3A_411 : vector<16xi32>
      %and3A_413 = arith.andi %ge3A_409, %lt3A_412 : vector<16xi1>
      %and3A_414 = arith.constant 63 : i32
      %and3A_415 = vector.broadcast %and3A_414 : i32 to vector<16xi32>
      %and3A_416 = arith.andi %get3A_404, %and3A_415 : vector<16xi32>
      %add3A_417 = arith.constant 5000 : i32
      %add3A_418 = vector.broadcast %add3A_417 : i32 to vector<16xi32>
      %add3A_419 = arith.addi %add3A_418, %and3A_416 : vector<16xi32>
      %select_n3A_420 = arith.select %and3A_413, %sub3A_406, %add3A_419 : vector<16xi1>, vector<16xi32>
      %swap3A_421 = arith.constant 256 : index
      %swap3A_422 = tpu.vector_load %arg9[%swap3A_421] {strides = array<i32>} : memref<400xi32, #tpu.memory_space<vmem>>, vector<16xi32>,
      tpu.vector_store %arg9[%swap3A_421], %select_n3A_420 {strides = array<i32>} : memref<400xi32, #tpu.memory_space<vmem>>, vector<16xi32>,
      %broadcast_in_dim3A_423 = arith.constant true
      %broadcast_in_dim3A_424 = vector.broadcast %broadcast_in_dim3A_423 : i1 to vector<16xi1>
      %unique3A_425, %unique3A_426 = tpu.scan_count mask(%broadcast_in_dim3A_424 : vector<16xi1>) value(%select_n3A_420 : vector<16xi32>) : vector<16xi1>, vector<16xi32>
      %convert_element_type3A_427 = arith.sitofp %unique3A_426 : vector<16xi32> to vector<16xf32>
      tpu.vector_store_idx %arg11[%select_n3A_420], %convert_element_type3A_427 masked %unique3A_425 {add = true} : memref<5120xf32, #tpu.memory_space<vmem>>[vector<16xi32>], vector<16xf32>, vector<16xi1>
      %get3A_428 = arith.constant 272 : index
      %get3A_429 = tpu.vector_load %arg8[%get3A_428] {strides = array<i32>} : memref<400xi32, #tpu.memory_space<vmem>>, vector<16xi32>,
      %sub3A_430 = vector.broadcast %mul3A_0 : i32 to vector<16xi32>
      %sub3A_431 = arith.subi %get3A_429, %sub3A_430 : vector<16xi32>
      %ge3A_432 = arith.constant 0 : i32
      %ge3A_433 = vector.broadcast %ge3A_432 : i32 to vector<16xi32>
      %ge3A_434 = arith.cmpi sge, %sub3A_431, %ge3A_433 : vector<16xi32>
      %lt3A_435 = arith.constant 5000 : i32
      %lt3A_436 = vector.broadcast %lt3A_435 : i32 to vector<16xi32>
      %lt3A_437 = arith.cmpi slt, %sub3A_431, %lt3A_436 : vector<16xi32>
      %and3A_438 = arith.andi %ge3A_434, %lt3A_437 : vector<16xi1>
      %and3A_439 = arith.constant 63 : i32
      %and3A_440 = vector.broadcast %and3A_439 : i32 to vector<16xi32>
      %and3A_441 = arith.andi %get3A_429, %and3A_440 : vector<16xi32>
      %add3A_442 = arith.constant 5000 : i32
      %add3A_443 = vector.broadcast %add3A_442 : i32 to vector<16xi32>
      %add3A_444 = arith.addi %add3A_443, %and3A_441 : vector<16xi32>
      %select_n3A_445 = arith.select %and3A_438, %sub3A_431, %add3A_444 : vector<16xi1>, vector<16xi32>
      %swap3A_446 = arith.constant 272 : index
      %swap3A_447 = tpu.vector_load %arg9[%swap3A_446] {strides = array<i32>} : memref<400xi32, #tpu.memory_space<vmem>>, vector<16xi32>,
      tpu.vector_store %arg9[%swap3A_446], %select_n3A_445 {strides = array<i32>} : memref<400xi32, #tpu.memory_space<vmem>>, vector<16xi32>,
      %broadcast_in_dim3A_448 = arith.constant true
      %broadcast_in_dim3A_449 = vector.broadcast %broadcast_in_dim3A_448 : i1 to vector<16xi1>
      %unique3A_450, %unique3A_451 = tpu.scan_count mask(%broadcast_in_dim3A_449 : vector<16xi1>) value(%select_n3A_445 : vector<16xi32>) : vector<16xi1>, vector<16xi32>
      %convert_element_type3A_452 = arith.sitofp %unique3A_451 : vector<16xi32> to vector<16xf32>
      tpu.vector_store_idx %arg11[%select_n3A_445], %convert_element_type3A_452 masked %unique3A_450 {add = true} : memref<5120xf32, #tpu.memory_space<vmem>>[vector<16xi32>], vector<16xf32>, vector<16xi1>
      %get3A_453 = arith.constant 288 : index
      %get3A_454 = tpu.vector_load %arg8[%get3A_453] {strides = array<i32>} : memref<400xi32, #tpu.memory_space<vmem>>, vector<16xi32>,
      %sub3A_455 = vector.broadcast %mul3A_0 : i32 to vector<16xi32>
      %sub3A_456 = arith.subi %get3A_454, %sub3A_455 : vector<16xi32>
      %ge3A_457 = arith.constant 0 : i32
      %ge3A_458 = vector.broadcast %ge3A_457 : i32 to vector<16xi32>
      %ge3A_459 = arith.cmpi sge, %sub3A_456, %ge3A_458 : vector<16xi32>
      %lt3A_460 = arith.constant 5000 : i32
      %lt3A_461 = vector.broadcast %lt3A_460 : i32 to vector<16xi32>
      %lt3A_462 = arith.cmpi slt, %sub3A_456, %lt3A_461 : vector<16xi32>
      %and3A_463 = arith.andi %ge3A_459, %lt3A_462 : vector<16xi1>
      %and3A_464 = arith.constant 63 : i32
      %and3A_465 = vector.broadcast %and3A_464 : i32 to vector<16xi32>
      %and3A_466 = arith.andi %get3A_454, %and3A_465 : vector<16xi32>
      %add3A_467 = arith.constant 5000 : i32
      %add3A_468 = vector.broadcast %add3A_467 : i32 to vector<16xi32>
      %add3A_469 = arith.addi %add3A_468, %and3A_466 : vector<16xi32>
      %select_n3A_470 = arith.select %and3A_463, %sub3A_456, %add3A_469 : vector<16xi1>, vector<16xi32>
      %swap3A_471 = arith.constant 288 : index
      %swap3A_472 = tpu.vector_load %arg9[%swap3A_471] {strides = array<i32>} : memref<400xi32, #tpu.memory_space<vmem>>, vector<16xi32>,
      tpu.vector_store %arg9[%swap3A_471], %select_n3A_470 {strides = array<i32>} : memref<400xi32, #tpu.memory_space<vmem>>, vector<16xi32>,
      %broadcast_in_dim3A_473 = arith.constant true
      %broadcast_in_dim3A_474 = vector.broadcast %broadcast_in_dim3A_473 : i1 to vector<16xi1>
      %unique3A_475, %unique3A_476 = tpu.scan_count mask(%broadcast_in_dim3A_474 : vector<16xi1>) value(%select_n3A_470 : vector<16xi32>) : vector<16xi1>, vector<16xi32>
      %convert_element_type3A_477 = arith.sitofp %unique3A_476 : vector<16xi32> to vector<16xf32>
      tpu.vector_store_idx %arg11[%select_n3A_470], %convert_element_type3A_477 masked %unique3A_475 {add = true} : memref<5120xf32, #tpu.memory_space<vmem>>[vector<16xi32>], vector<16xf32>, vector<16xi1>
      %get3A_478 = arith.constant 304 : index
      %get3A_479 = tpu.vector_load %arg8[%get3A_478] {strides = array<i32>} : memref<400xi32, #tpu.memory_space<vmem>>, vector<16xi32>,
      %sub3A_480 = vector.broadcast %mul3A_0 : i32 to vector<16xi32>
      %sub3A_481 = arith.subi %get3A_479, %sub3A_480 : vector<16xi32>
      %ge3A_482 = arith.constant 0 : i32
      %ge3A_483 = vector.broadcast %ge3A_482 : i32 to vector<16xi32>
      %ge3A_484 = arith.cmpi sge, %sub3A_481, %ge3A_483 : vector<16xi32>
      %lt3A_485 = arith.constant 5000 : i32
      %lt3A_486 = vector.broadcast %lt3A_485 : i32 to vector<16xi32>
      %lt3A_487 = arith.cmpi slt, %sub3A_481, %lt3A_486 : vector<16xi32>
      %and3A_488 = arith.andi %ge3A_484, %lt3A_487 : vector<16xi1>
      %and3A_489 = arith.constant 63 : i32
      %and3A_490 = vector.broadcast %and3A_489 : i32 to vector<16xi32>
      %and3A_491 = arith.andi %get3A_479, %and3A_490 : vector<16xi32>
      %add3A_492 = arith.constant 5000 : i32
      %add3A_493 = vector.broadcast %add3A_492 : i32 to vector<16xi32>
      %add3A_494 = arith.addi %add3A_493, %and3A_491 : vector<16xi32>
      %select_n3A_495 = arith.select %and3A_488, %sub3A_481, %add3A_494 : vector<16xi1>, vector<16xi32>
      %swap3A_496 = arith.constant 304 : index
      %swap3A_497 = tpu.vector_load %arg9[%swap3A_496] {strides = array<i32>} : memref<400xi32, #tpu.memory_space<vmem>>, vector<16xi32>,
      tpu.vector_store %arg9[%swap3A_496], %select_n3A_495 {strides = array<i32>} : memref<400xi32, #tpu.memory_space<vmem>>, vector<16xi32>,
      %broadcast_in_dim3A_498 = arith.constant true
      %broadcast_in_dim3A_499 = vector.broadcast %broadcast_in_dim3A_498 : i1 to vector<16xi1>
      %unique3A_500, %unique3A_501 = tpu.scan_count mask(%broadcast_in_dim3A_499 : vector<16xi1>) value(%select_n3A_495 : vector<16xi32>) : vector<16xi1>, vector<16xi32>
      %convert_element_type3A_502 = arith.sitofp %unique3A_501 : vector<16xi32> to vector<16xf32>
      tpu.vector_store_idx %arg11[%select_n3A_495], %convert_element_type3A_502 masked %unique3A_500 {add = true} : memref<5120xf32, #tpu.memory_space<vmem>>[vector<16xi32>], vector<16xf32>, vector<16xi1>
      %get3A_503 = arith.constant 320 : index
      %get3A_504 = tpu.vector_load %arg8[%get3A_503] {strides = array<i32>} : memref<400xi32, #tpu.memory_space<vmem>>, vector<16xi32>,
      %sub3A_505 = vector.broadcast %mul3A_0 : i32 to vector<16xi32>
      %sub3A_506 = arith.subi %get3A_504, %sub3A_505 : vector<16xi32>
      %ge3A_507 = arith.constant 0 : i32
      %ge3A_508 = vector.broadcast %ge3A_507 : i32 to vector<16xi32>
      %ge3A_509 = arith.cmpi sge, %sub3A_506, %ge3A_508 : vector<16xi32>
      %lt3A_510 = arith.constant 5000 : i32
      %lt3A_511 = vector.broadcast %lt3A_510 : i32 to vector<16xi32>
      %lt3A_512 = arith.cmpi slt, %sub3A_506, %lt3A_511 : vector<16xi32>
      %and3A_513 = arith.andi %ge3A_509, %lt3A_512 : vector<16xi1>
      %and3A_514 = arith.constant 63 : i32
      %and3A_515 = vector.broadcast %and3A_514 : i32 to vector<16xi32>
      %and3A_516 = arith.andi %get3A_504, %and3A_515 : vector<16xi32>
      %add3A_517 = arith.constant 5000 : i32
      %add3A_518 = vector.broadcast %add3A_517 : i32 to vector<16xi32>
      %add3A_519 = arith.addi %add3A_518, %and3A_516 : vector<16xi32>
      %select_n3A_520 = arith.select %and3A_513, %sub3A_506, %add3A_519 : vector<16xi1>, vector<16xi32>
      %swap3A_521 = arith.constant 320 : index
      %swap3A_522 = tpu.vector_load %arg9[%swap3A_521] {strides = array<i32>} : memref<400xi32, #tpu.memory_space<vmem>>, vector<16xi32>,
      tpu.vector_store %arg9[%swap3A_521], %select_n3A_520 {strides = array<i32>} : memref<400xi32, #tpu.memory_space<vmem>>, vector<16xi32>,
      %broadcast_in_dim3A_523 = arith.constant true
      %broadcast_in_dim3A_524 = vector.broadcast %broadcast_in_dim3A_523 : i1 to vector<16xi1>
      %unique3A_525, %unique3A_526 = tpu.scan_count mask(%broadcast_in_dim3A_524 : vector<16xi1>) value(%select_n3A_520 : vector<16xi32>) : vector<16xi1>, vector<16xi32>
      %convert_element_type3A_527 = arith.sitofp %unique3A_526 : vector<16xi32> to vector<16xf32>
      tpu.vector_store_idx %arg11[%select_n3A_520], %convert_element_type3A_527 masked %unique3A_525 {add = true} : memref<5120xf32, #tpu.memory_space<vmem>>[vector<16xi32>], vector<16xf32>, vector<16xi1>
      %get3A_528 = arith.constant 336 : index
      %get3A_529 = tpu.vector_load %arg8[%get3A_528] {strides = array<i32>} : memref<400xi32, #tpu.memory_space<vmem>>, vector<16xi32>,
      %sub3A_530 = vector.broadcast %mul3A_0 : i32 to vector<16xi32>
      %sub3A_531 = arith.subi %get3A_529, %sub3A_530 : vector<16xi32>
      %ge3A_532 = arith.constant 0 : i32
      %ge3A_533 = vector.broadcast %ge3A_532 : i32 to vector<16xi32>
      %ge3A_534 = arith.cmpi sge, %sub3A_531, %ge3A_533 : vector<16xi32>
      %lt3A_535 = arith.constant 5000 : i32
      %lt3A_536 = vector.broadcast %lt3A_535 : i32 to vector<16xi32>
      %lt3A_537 = arith.cmpi slt, %sub3A_531, %lt3A_536 : vector<16xi32>
      %and3A_538 = arith.andi %ge3A_534, %lt3A_537 : vector<16xi1>
      %and3A_539 = arith.constant 63 : i32
      %and3A_540 = vector.broadcast %and3A_539 : i32 to vector<16xi32>
      %and3A_541 = arith.andi %get3A_529, %and3A_540 : vector<16xi32>
      %add3A_542 = arith.constant 5000 : i32
      %add3A_543 = vector.broadcast %add3A_542 : i32 to vector<16xi32>
      %add3A_544 = arith.addi %add3A_543, %and3A_541 : vector<16xi32>
      %select_n3A_545 = arith.select %and3A_538, %sub3A_531, %add3A_544 : vector<16xi1>, vector<16xi32>
      %swap3A_546 = arith.constant 336 : index
      %swap3A_547 = tpu.vector_load %arg9[%swap3A_546] {strides = array<i32>} : memref<400xi32, #tpu.memory_space<vmem>>, vector<16xi32>,
      tpu.vector_store %arg9[%swap3A_546], %select_n3A_545 {strides = array<i32>} : memref<400xi32, #tpu.memory_space<vmem>>, vector<16xi32>,
      %broadcast_in_dim3A_548 = arith.constant true
      %broadcast_in_dim3A_549 = vector.broadcast %broadcast_in_dim3A_548 : i1 to vector<16xi1>
      %unique3A_550, %unique3A_551 = tpu.scan_count mask(%broadcast_in_dim3A_549 : vector<16xi1>) value(%select_n3A_545 : vector<16xi32>) : vector<16xi1>, vector<16xi32>
      %convert_element_type3A_552 = arith.sitofp %unique3A_551 : vector<16xi32> to vector<16xf32>
      tpu.vector_store_idx %arg11[%select_n3A_545], %convert_element_type3A_552 masked %unique3A_550 {add = true} : memref<5120xf32, #tpu.memory_space<vmem>>[vector<16xi32>], vector<16xf32>, vector<16xi1>
      %get3A_553 = arith.constant 352 : index
      %get3A_554 = tpu.vector_load %arg8[%get3A_553] {strides = array<i32>} : memref<400xi32, #tpu.memory_space<vmem>>, vector<16xi32>,
      %sub3A_555 = vector.broadcast %mul3A_0 : i32 to vector<16xi32>
      %sub3A_556 = arith.subi %get3A_554, %sub3A_555 : vector<16xi32>
      %ge3A_557 = arith.constant 0 : i32
      %ge3A_558 = vector.broadcast %ge3A_557 : i32 to vector<16xi32>
      %ge3A_559 = arith.cmpi sge, %sub3A_556, %ge3A_558 : vector<16xi32>
      %lt3A_560 = arith.constant 5000 : i32
      %lt3A_561 = vector.broadcast %lt3A_560 : i32 to vector<16xi32>
      %lt3A_562 = arith.cmpi slt, %sub3A_556, %lt3A_561 : vector<16xi32>
      %and3A_563 = arith.andi %ge3A_559, %lt3A_562 : vector<16xi1>
      %and3A_564 = arith.constant 63 : i32
      %and3A_565 = vector.broadcast %and3A_564 : i32 to vector<16xi32>
      %and3A_566 = arith.andi %get3A_554, %and3A_565 : vector<16xi32>
      %add3A_567 = arith.constant 5000 : i32
      %add3A_568 = vector.broadcast %add3A_567 : i32 to vector<16xi32>
      %add3A_569 = arith.addi %add3A_568, %and3A_566 : vector<16xi32>
      %select_n3A_570 = arith.select %and3A_563, %sub3A_556, %add3A_569 : vector<16xi1>, vector<16xi32>
      %swap3A_571 = arith.constant 352 : index
      %swap3A_572 = tpu.vector_load %arg9[%swap3A_571] {strides = array<i32>} : memref<400xi32, #tpu.memory_space<vmem>>, vector<16xi32>,
      tpu.vector_store %arg9[%swap3A_571], %select_n3A_570 {strides = array<i32>} : memref<400xi32, #tpu.memory_space<vmem>>, vector<16xi32>,
      %broadcast_in_dim3A_573 = arith.constant true
      %broadcast_in_dim3A_574 = vector.broadcast %broadcast_in_dim3A_573 : i1 to vector<16xi1>
      %unique3A_575, %unique3A_576 = tpu.scan_count mask(%broadcast_in_dim3A_574 : vector<16xi1>) value(%select_n3A_570 : vector<16xi32>) : vector<16xi1>, vector<16xi32>
      %convert_element_type3A_577 = arith.sitofp %unique3A_576 : vector<16xi32> to vector<16xf32>
      tpu.vector_store_idx %arg11[%select_n3A_570], %convert_element_type3A_577 masked %unique3A_575 {add = true} : memref<5120xf32, #tpu.memory_space<vmem>>[vector<16xi32>], vector<16xf32>, vector<16xi1>
      %get3A_578 = arith.constant 368 : index
      %get3A_579 = tpu.vector_load %arg8[%get3A_578] {strides = array<i32>} : memref<400xi32, #tpu.memory_space<vmem>>, vector<16xi32>,
      %sub3A_580 = vector.broadcast %mul3A_0 : i32 to vector<16xi32>
      %sub3A_581 = arith.subi %get3A_579, %sub3A_580 : vector<16xi32>
      %ge3A_582 = arith.constant 0 : i32
      %ge3A_583 = vector.broadcast %ge3A_582 : i32 to vector<16xi32>
      %ge3A_584 = arith.cmpi sge, %sub3A_581, %ge3A_583 : vector<16xi32>
      %lt3A_585 = arith.constant 5000 : i32
      %lt3A_586 = vector.broadcast %lt3A_585 : i32 to vector<16xi32>
      %lt3A_587 = arith.cmpi slt, %sub3A_581, %lt3A_586 : vector<16xi32>
      %and3A_588 = arith.andi %ge3A_584, %lt3A_587 : vector<16xi1>
      %and3A_589 = arith.constant 63 : i32
      %and3A_590 = vector.broadcast %and3A_589 : i32 to vector<16xi32>
      %and3A_591 = arith.andi %get3A_579, %and3A_590 : vector<16xi32>
      %add3A_592 = arith.constant 5000 : i32
      %add3A_593 = vector.broadcast %add3A_592 : i32 to vector<16xi32>
      %add3A_594 = arith.addi %add3A_593, %and3A_591 : vector<16xi32>
      %select_n3A_595 = arith.select %and3A_588, %sub3A_581, %add3A_594 : vector<16xi1>, vector<16xi32>
      %swap3A_596 = arith.constant 368 : index
      %swap3A_597 = tpu.vector_load %arg9[%swap3A_596] {strides = array<i32>} : memref<400xi32, #tpu.memory_space<vmem>>, vector<16xi32>,
      tpu.vector_store %arg9[%swap3A_596], %select_n3A_595 {strides = array<i32>} : memref<400xi32, #tpu.memory_space<vmem>>, vector<16xi32>,
      %broadcast_in_dim3A_598 = arith.constant true
      %broadcast_in_dim3A_599 = vector.broadcast %broadcast_in_dim3A_598 : i1 to vector<16xi1>
      %unique3A_600, %unique3A_601 = tpu.scan_count mask(%broadcast_in_dim3A_599 : vector<16xi1>) value(%select_n3A_595 : vector<16xi32>) : vector<16xi1>, vector<16xi32>
      %convert_element_type3A_602 = arith.sitofp %unique3A_601 : vector<16xi32> to vector<16xf32>
      tpu.vector_store_idx %arg11[%select_n3A_595], %convert_element_type3A_602 masked %unique3A_600 {add = true} : memref<5120xf32, #tpu.memory_space<vmem>>[vector<16xi32>], vector<16xf32>, vector<16xi1>
      %get3A_603 = arith.constant 384 : index
      %get3A_604 = tpu.vector_load %arg8[%get3A_603] {strides = array<i32>} : memref<400xi32, #tpu.memory_space<vmem>>, vector<16xi32>,
      %sub3A_605 = vector.broadcast %mul3A_0 : i32 to vector<16xi32>
      %sub3A_606 = arith.subi %get3A_604, %sub3A_605 : vector<16xi32>
      %ge3A_607 = arith.constant 0 : i32
      %ge3A_608 = vector.broadcast %ge3A_607 : i32 to vector<16xi32>
      %ge3A_609 = arith.cmpi sge, %sub3A_606, %ge3A_608 : vector<16xi32>
      %lt3A_610 = arith.constant 5000 : i32
      %lt3A_611 = vector.broadcast %lt3A_610 : i32 to vector<16xi32>
      %lt3A_612 = arith.cmpi slt, %sub3A_606, %lt3A_611 : vector<16xi32>
      %and3A_613 = arith.andi %ge3A_609, %lt3A_612 : vector<16xi1>
      %and3A_614 = arith.constant 63 : i32
      %and3A_615 = vector.broadcast %and3A_614 : i32 to vector<16xi32>
      %and3A_616 = arith.andi %get3A_604, %and3A_615 : vector<16xi32>
      %add3A_617 = arith.constant 5000 : i32
      %add3A_618 = vector.broadcast %add3A_617 : i32 to vector<16xi32>
      %add3A_619 = arith.addi %add3A_618, %and3A_616 : vector<16xi32>
      %select_n3A_620 = arith.select %and3A_613, %sub3A_606, %add3A_619 : vector<16xi1>, vector<16xi32>
      %swap3A_621 = arith.constant 384 : index
      %swap3A_622 = tpu.vector_load %arg9[%swap3A_621] {strides = array<i32>} : memref<400xi32, #tpu.memory_space<vmem>>, vector<16xi32>,
      tpu.vector_store %arg9[%swap3A_621], %select_n3A_620 {strides = array<i32>} : memref<400xi32, #tpu.memory_space<vmem>>, vector<16xi32>,
      %broadcast_in_dim3A_623 = arith.constant true
      %broadcast_in_dim3A_624 = vector.broadcast %broadcast_in_dim3A_623 : i1 to vector<16xi1>
      %unique3A_625, %unique3A_626 = tpu.scan_count mask(%broadcast_in_dim3A_624 : vector<16xi1>) value(%select_n3A_620 : vector<16xi32>) : vector<16xi1>, vector<16xi32>
      %convert_element_type3A_627 = arith.sitofp %unique3A_626 : vector<16xi32> to vector<16xf32>
      tpu.vector_store_idx %arg11[%select_n3A_620], %convert_element_type3A_627 masked %unique3A_625 {add = true} : memref<5120xf32, #tpu.memory_space<vmem>>[vector<16xi32>], vector<16xf32>, vector<16xi1>
      "tpu.region"() ({
        %run_scoped3A = tpu.sem_alloc : memref<!tpu.dma_semaphore, #tpu.memory_space<semaphore_mem>>
        %dma_start3A = arith.constant 0 : i32
        %dma_start3A_628 = arith.constant 0 : i32
        %dma_start3A_629 = tpu.memref_slice %arg12[%dma_start3A, %dma_start3A_628] : memref<5120x128xf32, #tpu.memory_space<vmem_shared>> -> memref<5120x128xf32, #tpu.memory_space<vmem_shared>>
        tpu.enqueue_indirect_dma source(%arg10 : memref<400x128xf32, #tpu.memory_space<vmem>>) target(%dma_start3A_629 : memref<5120x128xf32, #tpu.memory_space<vmem_shared>>) offsets(%arg9 : memref<400xi32, #tpu.memory_space<vmem>>) semaphore(%run_scoped3A : memref<!tpu.dma_semaphore, #tpu.memory_space<semaphore_mem>>) {add = true}
        %dma_wait3A = arith.constant 0 : i32
        %dma_wait3A_630 = arith.constant 0 : i32
        %dma_wait3A_631 = tpu.memref_slice %arg12[%dma_wait3A, %dma_wait3A_630] : memref<5120x128xf32, #tpu.memory_space<vmem_shared>> -> memref<5120x128xf32, #tpu.memory_space<vmem_shared>>
        tpu.wait_indirect_dma semaphore(%run_scoped3A : memref<!tpu.dma_semaphore, #tpu.memory_space<semaphore_mem>>) src(%arg10 : memref<400x128xf32, #tpu.memory_space<vmem>>) dst(%dma_wait3A_631 : memref<5120x128xf32, #tpu.memory_space<vmem_shared>>)
        tpu.yield
      }) : () -> ()
    }
    %scan3A_6 = arith.constant 50 : i32
    %barrier3A_7 = arith.constant 0 : index
    tpu.barrier barrier_id(%barrier3A_7)
    "tpu.region"() ({
      %run_scoped3A = tpu.sem_alloc : memref<!tpu.dma_semaphore, #tpu.memory_space<semaphore_mem>>
      %dma_start3A = arith.constant 0 : i32
      %dma_start3A_8 = arith.constant 0 : i32
      %dma_start3A_9 = tpu.memref_slice %arg10[%dma_start3A, %dma_start3A_8] : memref<400x128xf32, #tpu.memory_space<vmem>> -> memref<320x128xf32, #tpu.memory_space<vmem>>
      %dma_start3A_10 = arith.constant 0 : i32
      %dma_start3A_11 = tpu.memref_slice %arg12[%mul3A_2, %dma_start3A_10] : memref<5120x128xf32, #tpu.memory_space<vmem_shared>> -> memref<320x128xf32, #tpu.memory_space<vmem_shared>>
      %dma_start3A_12 = arith.constant 0 : i32
      %dma_start3A_13 = arith.constant 0 : i32
      %dma_start3A_14 = tpu.memref_slice %arg10[%dma_start3A_12, %dma_start3A_13] : memref<400x128xf32, #tpu.memory_space<vmem>> -> memref<320x128xf32, #tpu.memory_space<vmem>>
      %dma_start3A_15 = arith.constant 0 : i32
      %dma_start3A_16 = tpu.memref_slice %arg12[%mul3A_2, %dma_start3A_15] : memref<5120x128xf32, #tpu.memory_space<vmem_shared>> -> memref<320x128xf32, #tpu.memory_space<vmem_shared>>
      tpu.enqueue_dma source(%dma_start3A_16 : memref<320x128xf32, #tpu.memory_space<vmem_shared>>) target(%dma_start3A_14 : memref<320x128xf32, #tpu.memory_space<vmem>>) target_semaphore(%run_scoped3A : memref<!tpu.dma_semaphore, #tpu.memory_space<semaphore_mem>>)
      %dma_wait3A = arith.constant 0 : i32
      %dma_wait3A_17 = arith.constant 0 : i32
      %dma_wait3A_18 = tpu.memref_slice %arg10[%dma_wait3A, %dma_wait3A_17] : memref<400x128xf32, #tpu.memory_space<vmem>> -> memref<320x128xf32, #tpu.memory_space<vmem>>
      %dma_wait3A_19 = arith.constant 0 : i32
      %dma_wait3A_20 = tpu.memref_slice %arg12[%mul3A_2, %dma_wait3A_19] : memref<5120x128xf32, #tpu.memory_space<vmem_shared>> -> memref<320x128xf32, #tpu.memory_space<vmem_shared>>
      %dma_wait3A_21 = arith.constant 0 : i32
      %dma_wait3A_22 = arith.constant 0 : i32
      %dma_wait3A_23 = tpu.memref_slice %arg10[%dma_wait3A_21, %dma_wait3A_22] : memref<400x128xf32, #tpu.memory_space<vmem>> -> memref<320x128xf32, #tpu.memory_space<vmem>>
      %dma_wait3A_24 = arith.constant 0 : i32
      %dma_wait3A_25 = tpu.memref_slice %arg12[%mul3A_2, %dma_wait3A_24] : memref<5120x128xf32, #tpu.memory_space<vmem_shared>> -> memref<320x128xf32, #tpu.memory_space<vmem_shared>>
      tpu.wait_dma2 semaphore(%run_scoped3A : memref<!tpu.dma_semaphore, #tpu.memory_space<semaphore_mem>>) src(%dma_wait3A_25 : memref<320x128xf32, #tpu.memory_space<vmem_shared>>) dst(%dma_wait3A_23 : memref<320x128xf32, #tpu.memory_space<vmem>>)
      tpu.yield
    }) : () -> ()
    "tpu.region"() ({
      %run_scoped3A = tpu.sem_alloc : memref<!tpu.dma_semaphore, #tpu.memory_space<semaphore_mem>>
      %dma_start3A = arith.constant 0 : i32
      %dma_start3A_8 = arith.constant 0 : i32
      %dma_start3A_9 = tpu.memref_slice %arg10[%dma_start3A, %dma_start3A_8] : memref<400x128xf32, #tpu.memory_space<vmem>> -> memref<320x128xf32, #tpu.memory_space<vmem>>
      %dma_start3A_10 = arith.constant 0 : i32
      %dma_start3A_11 = tpu.memref_slice %arg6[%arg0, %mul3A_2, %dma_start3A_10] : memref<2x5120x128xf32, #tpu.memory_space<hbm>> -> memref<1x320x128xf32, #tpu.memory_space<hbm>>
      %dma_start3A_12 = tpu.memref_squeeze %dma_start3A_11 : memref<1x320x128xf32, #tpu.memory_space<hbm>> -> memref<320x128xf32, #tpu.memory_space<hbm>>
      %dma_start3A_13 = arith.constant 0 : i32
      %dma_start3A_14 = tpu.memref_slice %arg6[%arg0, %mul3A_2, %dma_start3A_13] : memref<2x5120x128xf32, #tpu.memory_space<hbm>> -> memref<1x320x128xf32, #tpu.memory_space<hbm>>
      %dma_start3A_15 = tpu.memref_squeeze %dma_start3A_14 : memref<1x320x128xf32, #tpu.memory_space<hbm>> -> memref<320x128xf32, #tpu.memory_space<hbm>>
      %dma_start3A_16 = arith.constant 0 : i32
      %dma_start3A_17 = arith.constant 0 : i32
      %dma_start3A_18 = tpu.memref_slice %arg10[%dma_start3A_16, %dma_start3A_17] : memref<400x128xf32, #tpu.memory_space<vmem>> -> memref<320x128xf32, #tpu.memory_space<vmem>>
      tpu.enqueue_dma source(%dma_start3A_18 : memref<320x128xf32, #tpu.memory_space<vmem>>) target(%dma_start3A_15 : memref<320x128xf32, #tpu.memory_space<hbm>>) target_semaphore(%run_scoped3A : memref<!tpu.dma_semaphore, #tpu.memory_space<semaphore_mem>>)
      %dma_wait3A = arith.constant 0 : i32
      %dma_wait3A_19 = arith.constant 0 : i32
      %dma_wait3A_20 = tpu.memref_slice %arg10[%dma_wait3A, %dma_wait3A_19] : memref<400x128xf32, #tpu.memory_space<vmem>> -> memref<320x128xf32, #tpu.memory_space<vmem>>
      %dma_wait3A_21 = arith.constant 0 : i32
      %dma_wait3A_22 = tpu.memref_slice %arg6[%arg0, %mul3A_2, %dma_wait3A_21] : memref<2x5120x128xf32, #tpu.memory_space<hbm>> -> memref<1x320x128xf32, #tpu.memory_space<hbm>>
      %dma_wait3A_23 = tpu.memref_squeeze %dma_wait3A_22 : memref<1x320x128xf32, #tpu.memory_space<hbm>> -> memref<320x128xf32, #tpu.memory_space<hbm>>
      %dma_wait3A_24 = arith.constant 0 : i32
      %dma_wait3A_25 = tpu.memref_slice %arg6[%arg0, %mul3A_2, %dma_wait3A_24] : memref<2x5120x128xf32, #tpu.memory_space<hbm>> -> memref<1x320x128xf32, #tpu.memory_space<hbm>>
      %dma_wait3A_26 = tpu.memref_squeeze %dma_wait3A_25 : memref<1x320x128xf32, #tpu.memory_space<hbm>> -> memref<320x128xf32, #tpu.memory_space<hbm>>
      %dma_wait3A_27 = arith.constant 0 : i32
      %dma_wait3A_28 = arith.constant 0 : i32
      %dma_wait3A_29 = tpu.memref_slice %arg10[%dma_wait3A_27, %dma_wait3A_28] : memref<400x128xf32, #tpu.memory_space<vmem>> -> memref<320x128xf32, #tpu.memory_space<vmem>>
      tpu.wait_dma2 semaphore(%run_scoped3A : memref<!tpu.dma_semaphore, #tpu.memory_space<semaphore_mem>>) src(%dma_wait3A_29 : memref<320x128xf32, #tpu.memory_space<vmem>>) dst(%dma_wait3A_26 : memref<320x128xf32, #tpu.memory_space<hbm>>)
      tpu.yield
    }) : () -> ()
    "tpu.region"() ({
      %run_scoped3A = tpu.sem_alloc : memref<!tpu.dma_semaphore, #tpu.memory_space<semaphore_mem>>
      %dma_start3A = arith.constant 0 : i32
      %dma_start3A_8 = tpu.memref_slice %arg7[%arg0, %arg1, %dma_start3A] : memref<2x16x5120xf32, #tpu.memory_space<hbm>> -> memref<1x1x5120xf32, #tpu.memory_space<hbm>>
      %dma_start3A_9 = tpu.memref_squeeze %dma_start3A_8 : memref<1x1x5120xf32, #tpu.memory_space<hbm>> -> memref<5120xf32, #tpu.memory_space<hbm>>
      %dma_start3A_10 = arith.constant 0 : i32
      %dma_start3A_11 = tpu.memref_slice %arg7[%arg0, %arg1, %dma_start3A_10] : memref<2x16x5120xf32, #tpu.memory_space<hbm>> -> memref<1x1x5120xf32, #tpu.memory_space<hbm>>
      %dma_start3A_12 = tpu.memref_squeeze %dma_start3A_11 : memref<1x1x5120xf32, #tpu.memory_space<hbm>> -> memref<5120xf32, #tpu.memory_space<hbm>>
      tpu.enqueue_dma source(%arg11 : memref<5120xf32, #tpu.memory_space<vmem>>) target(%dma_start3A_12 : memref<5120xf32, #tpu.memory_space<hbm>>) target_semaphore(%run_scoped3A : memref<!tpu.dma_semaphore, #tpu.memory_space<semaphore_mem>>)
      %dma_wait3A = arith.constant 0 : i32
      %dma_wait3A_13 = tpu.memref_slice %arg7[%arg0, %arg1, %dma_wait3A] : memref<2x16x5120xf32, #tpu.memory_space<hbm>> -> memref<1x1x5120xf32, #tpu.memory_space<hbm>>
      %dma_wait3A_14 = tpu.memref_squeeze %dma_wait3A_13 : memref<1x1x5120xf32, #tpu.memory_space<hbm>> -> memref<5120xf32, #tpu.memory_space<hbm>>
      %dma_wait3A_15 = arith.constant 0 : i32
      %dma_wait3A_16 = tpu.memref_slice %arg7[%arg0, %arg1, %dma_wait3A_15] : memref<2x16x5120xf32, #tpu.memory_space<hbm>> -> memref<1x1x5120xf32, #tpu.memory_space<hbm>>
      %dma_wait3A_17 = tpu.memref_squeeze %dma_wait3A_16 : memref<1x1x5120xf32, #tpu.memory_space<hbm>> -> memref<5120xf32, #tpu.memory_space<hbm>>
      tpu.wait_dma2 semaphore(%run_scoped3A : memref<!tpu.dma_semaphore, #tpu.memory_space<semaphore_mem>>) src(%arg11 : memref<5120xf32, #tpu.memory_space<vmem>>) dst(%dma_wait3A_17 : memref<5120xf32, #tpu.memory_space<hbm>>)
      tpu.yield
    }) : () -> ()
    return
  }
}

#map = affine_map<(d0, d1) -> (0, 0)>
#map1 = affine_map<(d0, d1) -> (0)>
module attributes {stable_mosaic.version = 14 : i64} {
  func.func @_gather_body(%arg0: i32, %arg1: i32, %arg2: memref<10000x128xf32, #tpu.memory_space<hbm>>, %arg3: memref<320000xi32, #tpu.memory_space<hbm>>, %arg4: memref<320000xi32, #tpu.memory_space<hbm>>, %arg5: memref<320000x128xf32, #tpu.memory_space<hbm>>, %arg6: memref<320000x128xf32, #tpu.memory_space<hbm>>, %arg7: memref<80xi32, #tpu.memory_space<vmem>>, %arg8: memref<80xi32, #tpu.memory_space<vmem>>, %arg9: memref<80x128xf32, #tpu.memory_space<vmem>>, %arg10: memref<80x128xf32, #tpu.memory_space<vmem>>, %arg11: memref<!tpu.dma_semaphore, #tpu.memory_space<semaphore_mem>>, %arg12: memref<!tpu.dma_semaphore, #tpu.memory_space<semaphore_mem>>) attributes {dimension_semantics = [#tpu.dimension_semantics<core_parallel>, #tpu.dimension_semantics<subcore_parallel>], iteration_bounds = array<i64: 2, 16>, scalar_prefetch = 0 : i64, scratch_operands = 6 : i64, tpu.core_type = #tpu.core_type<sc_vector_subcore>, window_params = [{transform_indices = #map}, {transform_indices = #map1}, {transform_indices = #map1}, {transform_indices = #map}, {transform_indices = #map}]} {
    %mul3A = arith.constant 16 : i32
    %mul3A_0 = arith.muli %arg0, %mul3A : i32
    %add3A = arith.addi %mul3A_0, %arg1 : i32
    %scan3A = arith.constant 0 : i32
    %scan3A_1 = arith.constant 125 : i32
    %scan3A_2 = arith.addi %scan3A, %scan3A_1 : i32
    %scan3A_3 = arith.constant 1 : i32
    scf.for %scan3A_5 = %scan3A to %scan3A_2 step %scan3A_3  : i32 {
      %mul3A_6 = arith.constant 10000 : i32
      %mul3A_7 = arith.muli %add3A, %mul3A_6 : i32
      %mul3A_8 = arith.constant 80 : i32
      %mul3A_9 = arith.muli %scan3A_5, %mul3A_8 : i32
      %add3A_10 = arith.addi %mul3A_7, %mul3A_9 : i32
      "tpu.region"() ({
        %run_scoped3A = tpu.sem_alloc : memref<!tpu.dma_semaphore, #tpu.memory_space<semaphore_mem>>
        %dma_start3A_21 = tpu.memref_slice %arg3[%add3A_10] : memref<320000xi32, #tpu.memory_space<hbm>> -> memref<80xi32, #tpu.memory_space<hbm>>
        %dma_start3A_22 = tpu.memref_slice %arg3[%add3A_10] : memref<320000xi32, #tpu.memory_space<hbm>> -> memref<80xi32, #tpu.memory_space<hbm>>
        tpu.enqueue_dma source(%dma_start3A_22 : memref<80xi32, #tpu.memory_space<hbm>>) target(%arg7 : memref<80xi32, #tpu.memory_space<vmem>>) target_semaphore(%run_scoped3A : memref<!tpu.dma_semaphore, #tpu.memory_space<semaphore_mem>>)
        %dma_wait3A_23 = tpu.memref_slice %arg3[%add3A_10] : memref<320000xi32, #tpu.memory_space<hbm>> -> memref<80xi32, #tpu.memory_space<hbm>>
        %dma_wait3A_24 = tpu.memref_slice %arg3[%add3A_10] : memref<320000xi32, #tpu.memory_space<hbm>> -> memref<80xi32, #tpu.memory_space<hbm>>
        tpu.wait_dma2 semaphore(%run_scoped3A : memref<!tpu.dma_semaphore, #tpu.memory_space<semaphore_mem>>) src(%dma_wait3A_24 : memref<80xi32, #tpu.memory_space<hbm>>) dst(%arg7 : memref<80xi32, #tpu.memory_space<vmem>>)
        tpu.yield
      }) : () -> ()
      "tpu.region"() ({
        %run_scoped3A = tpu.sem_alloc : memref<!tpu.dma_semaphore, #tpu.memory_space<semaphore_mem>>
        %dma_start3A_21 = tpu.memref_slice %arg4[%add3A_10] : memref<320000xi32, #tpu.memory_space<hbm>> -> memref<80xi32, #tpu.memory_space<hbm>>
        %dma_start3A_22 = tpu.memref_slice %arg4[%add3A_10] : memref<320000xi32, #tpu.memory_space<hbm>> -> memref<80xi32, #tpu.memory_space<hbm>>
        tpu.enqueue_dma source(%dma_start3A_22 : memref<80xi32, #tpu.memory_space<hbm>>) target(%arg8 : memref<80xi32, #tpu.memory_space<vmem>>) target_semaphore(%run_scoped3A : memref<!tpu.dma_semaphore, #tpu.memory_space<semaphore_mem>>)
        %dma_wait3A_23 = tpu.memref_slice %arg4[%add3A_10] : memref<320000xi32, #tpu.memory_space<hbm>> -> memref<80xi32, #tpu.memory_space<hbm>>
        %dma_wait3A_24 = tpu.memref_slice %arg4[%add3A_10] : memref<320000xi32, #tpu.memory_space<hbm>> -> memref<80xi32, #tpu.memory_space<hbm>>
        tpu.wait_dma2 semaphore(%run_scoped3A : memref<!tpu.dma_semaphore, #tpu.memory_space<semaphore_mem>>) src(%dma_wait3A_24 : memref<80xi32, #tpu.memory_space<hbm>>) dst(%arg8 : memref<80xi32, #tpu.memory_space<vmem>>)
        tpu.yield
      }) : () -> ()
      %dma_start3A = arith.constant 0 : i32
      %dma_start3A_11 = arith.constant 0 : i32
      %dma_start3A_12 = tpu.memref_slice %arg2[%dma_start3A, %dma_start3A_11] : memref<10000x128xf32, #tpu.memory_space<hbm>> -> memref<10000x128xf32, #tpu.memory_space<hbm>>
      tpu.enqueue_indirect_dma source(%dma_start3A_12 : memref<10000x128xf32, #tpu.memory_space<hbm>>) target(%arg9 : memref<80x128xf32, #tpu.memory_space<vmem>>) offsets(%arg7 : memref<80xi32, #tpu.memory_space<vmem>>) semaphore(%arg11 : memref<!tpu.dma_semaphore, #tpu.memory_space<semaphore_mem>>)
      %dma_start3A_13 = arith.constant 0 : i32
      %dma_start3A_14 = arith.constant 0 : i32
      %dma_start3A_15 = tpu.memref_slice %arg2[%dma_start3A_13, %dma_start3A_14] : memref<10000x128xf32, #tpu.memory_space<hbm>> -> memref<10000x128xf32, #tpu.memory_space<hbm>>
      tpu.enqueue_indirect_dma source(%dma_start3A_15 : memref<10000x128xf32, #tpu.memory_space<hbm>>) target(%arg10 : memref<80x128xf32, #tpu.memory_space<vmem>>) offsets(%arg8 : memref<80xi32, #tpu.memory_space<vmem>>) semaphore(%arg12 : memref<!tpu.dma_semaphore, #tpu.memory_space<semaphore_mem>>)
      %dma_wait3A = arith.constant 0 : i32
      %dma_wait3A_16 = arith.constant 0 : i32
      %dma_wait3A_17 = tpu.memref_slice %arg2[%dma_wait3A, %dma_wait3A_16] : memref<10000x128xf32, #tpu.memory_space<hbm>> -> memref<10000x128xf32, #tpu.memory_space<hbm>>
      tpu.wait_indirect_dma semaphore(%arg11 : memref<!tpu.dma_semaphore, #tpu.memory_space<semaphore_mem>>) src(%dma_wait3A_17 : memref<10000x128xf32, #tpu.memory_space<hbm>>) dst(%arg9 : memref<80x128xf32, #tpu.memory_space<vmem>>)
      %dma_wait3A_18 = arith.constant 0 : i32
      %dma_wait3A_19 = arith.constant 0 : i32
      %dma_wait3A_20 = tpu.memref_slice %arg2[%dma_wait3A_18, %dma_wait3A_19] : memref<10000x128xf32, #tpu.memory_space<hbm>> -> memref<10000x128xf32, #tpu.memory_space<hbm>>
      tpu.wait_indirect_dma semaphore(%arg12 : memref<!tpu.dma_semaphore, #tpu.memory_space<semaphore_mem>>) src(%dma_wait3A_20 : memref<10000x128xf32, #tpu.memory_space<hbm>>) dst(%arg10 : memref<80x128xf32, #tpu.memory_space<vmem>>)
      "tpu.region"() ({
        %run_scoped3A = tpu.sem_alloc : memref<!tpu.dma_semaphore, #tpu.memory_space<semaphore_mem>>
        %dma_start3A_21 = arith.constant 0 : i32
        %dma_start3A_22 = tpu.memref_slice %arg5[%add3A_10, %dma_start3A_21] : memref<320000x128xf32, #tpu.memory_space<hbm>> -> memref<80x128xf32, #tpu.memory_space<hbm>>
        %dma_start3A_23 = arith.constant 0 : i32
        %dma_start3A_24 = tpu.memref_slice %arg5[%add3A_10, %dma_start3A_23] : memref<320000x128xf32, #tpu.memory_space<hbm>> -> memref<80x128xf32, #tpu.memory_space<hbm>>
        tpu.enqueue_dma source(%arg9 : memref<80x128xf32, #tpu.memory_space<vmem>>) target(%dma_start3A_24 : memref<80x128xf32, #tpu.memory_space<hbm>>) target_semaphore(%run_scoped3A : memref<!tpu.dma_semaphore, #tpu.memory_space<semaphore_mem>>)
        %dma_wait3A_25 = arith.constant 0 : i32
        %dma_wait3A_26 = tpu.memref_slice %arg5[%add3A_10, %dma_wait3A_25] : memref<320000x128xf32, #tpu.memory_space<hbm>> -> memref<80x128xf32, #tpu.memory_space<hbm>>
        %dma_wait3A_27 = arith.constant 0 : i32
        %dma_wait3A_28 = tpu.memref_slice %arg5[%add3A_10, %dma_wait3A_27] : memref<320000x128xf32, #tpu.memory_space<hbm>> -> memref<80x128xf32, #tpu.memory_space<hbm>>
        tpu.wait_dma2 semaphore(%run_scoped3A : memref<!tpu.dma_semaphore, #tpu.memory_space<semaphore_mem>>) src(%arg9 : memref<80x128xf32, #tpu.memory_space<vmem>>) dst(%dma_wait3A_28 : memref<80x128xf32, #tpu.memory_space<hbm>>)
        tpu.yield
      }) : () -> ()
      "tpu.region"() ({
        %run_scoped3A = tpu.sem_alloc : memref<!tpu.dma_semaphore, #tpu.memory_space<semaphore_mem>>
        %dma_start3A_21 = arith.constant 0 : i32
        %dma_start3A_22 = tpu.memref_slice %arg6[%add3A_10, %dma_start3A_21] : memref<320000x128xf32, #tpu.memory_space<hbm>> -> memref<80x128xf32, #tpu.memory_space<hbm>>
        %dma_start3A_23 = arith.constant 0 : i32
        %dma_start3A_24 = tpu.memref_slice %arg6[%add3A_10, %dma_start3A_23] : memref<320000x128xf32, #tpu.memory_space<hbm>> -> memref<80x128xf32, #tpu.memory_space<hbm>>
        tpu.enqueue_dma source(%arg10 : memref<80x128xf32, #tpu.memory_space<vmem>>) target(%dma_start3A_24 : memref<80x128xf32, #tpu.memory_space<hbm>>) target_semaphore(%run_scoped3A : memref<!tpu.dma_semaphore, #tpu.memory_space<semaphore_mem>>)
        %dma_wait3A_25 = arith.constant 0 : i32
        %dma_wait3A_26 = tpu.memref_slice %arg6[%add3A_10, %dma_wait3A_25] : memref<320000x128xf32, #tpu.memory_space<hbm>> -> memref<80x128xf32, #tpu.memory_space<hbm>>
        %dma_wait3A_27 = arith.constant 0 : i32
        %dma_wait3A_28 = tpu.memref_slice %arg6[%add3A_10, %dma_wait3A_27] : memref<320000x128xf32, #tpu.memory_space<hbm>> -> memref<80x128xf32, #tpu.memory_space<hbm>>
        tpu.wait_dma2 semaphore(%run_scoped3A : memref<!tpu.dma_semaphore, #tpu.memory_space<semaphore_mem>>) src(%arg10 : memref<80x128xf32, #tpu.memory_space<vmem>>) dst(%dma_wait3A_28 : memref<80x128xf32, #tpu.memory_space<hbm>>)
        tpu.yield
      }) : () -> ()
    }
    %scan3A_4 = arith.constant 125 : i32
    return
  }
}

module attributes {stable_mosaic.version = 14 : i64} {
  func.func @_edge_mlp_body(%arg0: i32, %arg1: memref<2000x128xf32, #tpu.memory_space<vmem>>, %arg2: memref<2000x128xf32, #tpu.memory_space<vmem>>, %arg3: memref<2000x128xf32, #tpu.memory_space<vmem>>, %arg4: memref<128x128xf32, #tpu.memory_space<vmem>>, %arg5: memref<128x128xf32, #tpu.memory_space<vmem>>, %arg6: memref<128x128xf32, #tpu.memory_space<vmem>>, %arg7: memref<1x128xf32, #tpu.memory_space<vmem>>, %arg8: memref<128x128xf32, #tpu.memory_space<vmem>>, %arg9: memref<1x128xf32, #tpu.memory_space<vmem>>, %arg10: memref<2000x128xf32, #tpu.memory_space<vmem>>) attributes {dimension_semantics = [#tpu.dimension_semantics<arbitrary>], iteration_bounds = array<i64: 160>, scalar_prefetch = 0 : i64, scratch_operands = 0 : i64, tpu.core_type = #tpu.core_type<tc>, window_params = [{transform_indices = @transform_0, window_bounds = array<i64: 2000, 128>}, {transform_indices = @transform_1, window_bounds = array<i64: 2000, 128>}, {transform_indices = @transform_2, window_bounds = array<i64: 2000, 128>}, {pipeline_mode = #tpu.pipeline_mode<synchronous>, transform_indices = @transform_3, window_bounds = array<i64: 128, 128>}, {pipeline_mode = #tpu.pipeline_mode<synchronous>, transform_indices = @transform_4, window_bounds = array<i64: 128, 128>}, {pipeline_mode = #tpu.pipeline_mode<synchronous>, transform_indices = @transform_5, window_bounds = array<i64: 128, 128>}, {pipeline_mode = #tpu.pipeline_mode<synchronous>, transform_indices = @transform_6, window_bounds = array<i64: 1, 128>}, {pipeline_mode = #tpu.pipeline_mode<synchronous>, transform_indices = @transform_7, window_bounds = array<i64: 128, 128>}, {pipeline_mode = #tpu.pipeline_mode<synchronous>, transform_indices = @transform_8, window_bounds = array<i64: 1, 128>}, {transform_indices = @transform_9, window_bounds = array<i64: 2000, 128>}]} {
    %get3A = arith.constant 0 : index
    %get3A_0 = arith.constant 0 : index
    %get3A_1 = vector.load %arg1[%get3A, %get3A_0] : memref<2000x128xf32, #tpu.memory_space<vmem>>, vector<2000x128xf32>
    %get3A_2 = arith.constant 0 : index
    %get3A_3 = arith.constant 0 : index
    %get3A_4 = vector.load %arg4[%get3A_2, %get3A_3] : memref<128x128xf32, #tpu.memory_space<vmem>>, vector<128x128xf32>
    %dot_general3A = arith.constant dense<0.000000e+00> : vector<2000x128xf32>
    %dot_general3A_5 = tpu.matmul %get3A_1, %get3A_4, %dot_general3A {dimension_numbers = #tpu.dot_dimension_numbers<[1], [0], [0], [1], [0, 0, 1, 1], [], []>, transpose_lhs_hint = false} : vector<2000x128xf32>, vector<128x128xf32>, vector<2000x128xf32> -> vector<2000x128xf32>
    %get3A_6 = arith.constant 0 : index
    %get3A_7 = arith.constant 0 : index
    %get3A_8 = vector.load %arg2[%get3A_6, %get3A_7] : memref<2000x128xf32, #tpu.memory_space<vmem>>, vector<2000x128xf32>
    %get3A_9 = arith.constant 0 : index
    %get3A_10 = arith.constant 0 : index
    %get3A_11 = vector.load %arg5[%get3A_9, %get3A_10] : memref<128x128xf32, #tpu.memory_space<vmem>>, vector<128x128xf32>
    %dot_general3A_12 = arith.constant dense<0.000000e+00> : vector<2000x128xf32>
    %dot_general3A_13 = tpu.matmul %get3A_8, %get3A_11, %dot_general3A_12 {dimension_numbers = #tpu.dot_dimension_numbers<[1], [0], [0], [1], [0, 0, 1, 1], [], []>, transpose_lhs_hint = false} : vector<2000x128xf32>, vector<128x128xf32>, vector<2000x128xf32> -> vector<2000x128xf32>
    %add3A = arith.addf %dot_general3A_5, %dot_general3A_13 : vector<2000x128xf32>
    %get3A_14 = arith.constant 0 : index
    %get3A_15 = arith.constant 0 : index
    %get3A_16 = vector.load %arg3[%get3A_14, %get3A_15] : memref<2000x128xf32, #tpu.memory_space<vmem>>, vector<2000x128xf32>
    %get3A_17 = arith.constant 0 : index
    %get3A_18 = arith.constant 0 : index
    %get3A_19 = vector.load %arg6[%get3A_17, %get3A_18] : memref<128x128xf32, #tpu.memory_space<vmem>>, vector<128x128xf32>
    %dot_general3A_20 = arith.constant dense<0.000000e+00> : vector<2000x128xf32>
    %dot_general3A_21 = tpu.matmul %get3A_16, %get3A_19, %dot_general3A_20 {dimension_numbers = #tpu.dot_dimension_numbers<[1], [0], [0], [1], [0, 0, 1, 1], [], []>, transpose_lhs_hint = false} : vector<2000x128xf32>, vector<128x128xf32>, vector<2000x128xf32> -> vector<2000x128xf32>
    %add3A_22 = arith.addf %add3A, %dot_general3A_21 : vector<2000x128xf32>
    %get3A_23 = arith.constant 0 : index
    %get3A_24 = arith.constant 0 : index
    %get3A_25 = vector.load %arg7[%get3A_23, %get3A_24] : memref<1x128xf32, #tpu.memory_space<vmem>>, vector<1x128xf32>
    %add3A_26 = vector.broadcast %get3A_25 : vector<1x128xf32> to vector<2000x128xf32>
    %add3A_27 = arith.addf %add3A_22, %add3A_26 : vector<2000x128xf32>
    %gt3A = arith.constant 0.000000e+00 : f32
    %gt3A_28 = vector.broadcast %gt3A : f32 to vector<2000x128xf32>
    %gt3A_29 = arith.cmpf ogt, %add3A_27, %gt3A_28 : vector<2000x128xf32>
    %min3A = arith.constant 0.000000e+00 : f32
    %min3A_30 = vector.broadcast %min3A : f32 to vector<2000x128xf32>
    %min3A_31 = arith.minimumf %add3A_27, %min3A_30 : vector<2000x128xf32>
    %exp3A = math.exp %min3A_31 : vector<2000x128xf32>
    %sub3A = arith.constant 1.000000e+00 : f32
    %sub3A_32 = vector.broadcast %sub3A : f32 to vector<2000x128xf32>
    %sub3A_33 = arith.subf %exp3A, %sub3A_32 : vector<2000x128xf32>
    %select_n3A = arith.select %gt3A_29, %add3A_27, %sub3A_33 : vector<2000x128xi1>, vector<2000x128xf32>
    %get3A_34 = arith.constant 0 : index
    %get3A_35 = arith.constant 0 : index
    %get3A_36 = vector.load %arg8[%get3A_34, %get3A_35] : memref<128x128xf32, #tpu.memory_space<vmem>>, vector<128x128xf32>
    %dot_general3A_37 = arith.constant dense<0.000000e+00> : vector<2000x128xf32>
    %dot_general3A_38 = tpu.matmul %select_n3A, %get3A_36, %dot_general3A_37 {dimension_numbers = #tpu.dot_dimension_numbers<[1], [0], [0], [1], [0, 0, 1, 1], [], []>, transpose_lhs_hint = false} : vector<2000x128xf32>, vector<128x128xf32>, vector<2000x128xf32> -> vector<2000x128xf32>
    %add3A_39 = arith.addf %get3A_1, %dot_general3A_38 : vector<2000x128xf32>
    %get3A_40 = arith.constant 0 : index
    %get3A_41 = arith.constant 0 : index
    %get3A_42 = vector.load %arg9[%get3A_40, %get3A_41] : memref<1x128xf32, #tpu.memory_space<vmem>>, vector<1x128xf32>
    %add3A_43 = vector.broadcast %get3A_42 : vector<1x128xf32> to vector<2000x128xf32>
    %add3A_44 = arith.addf %add3A_39, %add3A_43 : vector<2000x128xf32>
    %swap3A = arith.constant 0 : index
    %swap3A_45 = arith.constant 0 : index
    %swap3A_46 = vector.load %arg10[%swap3A, %swap3A_45] : memref<2000x128xf32, #tpu.memory_space<vmem>>, vector<2000x128xf32>
    tpu.vector_store %arg10[%swap3A, %swap3A_45], %add3A_44 {strides = array<i32>} : memref<2000x128xf32, #tpu.memory_space<vmem>>, vector<2000x128xf32>,
    return
  }
  func.func @transform_0(%arg0: i32) -> (i32, i32) {
    %c0_i32 = arith.constant 0 : i32
    %c0_i32_0 = arith.constant 0 : i32
    return %arg0, %c0_i32 : i32, i32
  }
  func.func @transform_1(%arg0: i32) -> (i32, i32) {
    %c0_i32 = arith.constant 0 : i32
    %c0_i32_0 = arith.constant 0 : i32
    return %arg0, %c0_i32 : i32, i32
  }
  func.func @transform_2(%arg0: i32) -> (i32, i32) {
    %c0_i32 = arith.constant 0 : i32
    %c0_i32_0 = arith.constant 0 : i32
    return %arg0, %c0_i32 : i32, i32
  }
  func.func @transform_3(%arg0: i32) -> (i32, i32) {
    %c0_i32 = arith.constant 0 : i32
    %c0_i32_0 = arith.constant 0 : i32
    %c0_i32_1 = arith.constant 0 : i32
    return %c0_i32, %c0_i32_0 : i32, i32
  }
  func.func @transform_4(%arg0: i32) -> (i32, i32) {
    %c0_i32 = arith.constant 0 : i32
    %c0_i32_0 = arith.constant 0 : i32
    %c0_i32_1 = arith.constant 0 : i32
    return %c0_i32, %c0_i32_0 : i32, i32
  }
  func.func @transform_5(%arg0: i32) -> (i32, i32) {
    %c0_i32 = arith.constant 0 : i32
    %c0_i32_0 = arith.constant 0 : i32
    %c0_i32_1 = arith.constant 0 : i32
    return %c0_i32, %c0_i32_0 : i32, i32
  }
  func.func @transform_6(%arg0: i32) -> (i32, i32) {
    %c0_i32 = arith.constant 0 : i32
    %c0_i32_0 = arith.constant 0 : i32
    %c0_i32_1 = arith.constant 0 : i32
    return %c0_i32, %c0_i32_0 : i32, i32
  }
  func.func @transform_7(%arg0: i32) -> (i32, i32) {
    %c0_i32 = arith.constant 0 : i32
    %c0_i32_0 = arith.constant 0 : i32
    %c0_i32_1 = arith.constant 0 : i32
    return %c0_i32, %c0_i32_0 : i32, i32
  }
  func.func @transform_8(%arg0: i32) -> (i32, i32) {
    %c0_i32 = arith.constant 0 : i32
    %c0_i32_0 = arith.constant 0 : i32
    %c0_i32_1 = arith.constant 0 : i32
    return %c0_i32, %c0_i32_0 : i32, i32
  }
  func.func @transform_9(%arg0: i32) -> (i32, i32) {
    %c0_i32 = arith.constant 0 : i32
    %c0_i32_0 = arith.constant 0 : i32
    return %arg0, %c0_i32 : i32, i32
  }
}

module attributes {stable_mosaic.version = 14 : i64} {
  func.func @_node_mlp_body(%arg0: i32, %arg1: memref<5000x128xf32, #tpu.memory_space<vmem>>, %arg2: memref<1x5000x128xf32, #tpu.memory_space<vmem>>, %arg3: memref<1x16x5120xf32, #tpu.memory_space<vmem>>, %arg4: memref<128x128xf32, #tpu.memory_space<vmem>>, %arg5: memref<128x128xf32, #tpu.memory_space<vmem>>, %arg6: memref<1x128xf32, #tpu.memory_space<vmem>>, %arg7: memref<128x128xf32, #tpu.memory_space<vmem>>, %arg8: memref<1x128xf32, #tpu.memory_space<vmem>>, %arg9: memref<5000x128xf32, #tpu.memory_space<vmem>>) attributes {dimension_semantics = [#tpu.dimension_semantics<arbitrary>], iteration_bounds = array<i64: 2>, scalar_prefetch = 0 : i64, scratch_operands = 0 : i64, tpu.core_type = #tpu.core_type<tc>, window_params = [{transform_indices = @transform_0, window_bounds = array<i64: 5000, 128>}, {transform_indices = @transform_1, window_bounds = array<i64: 1, 5000, 128>}, {transform_indices = @transform_2, window_bounds = array<i64: 1, 16, 5120>}, {pipeline_mode = #tpu.pipeline_mode<synchronous>, transform_indices = @transform_3, window_bounds = array<i64: 128, 128>}, {pipeline_mode = #tpu.pipeline_mode<synchronous>, transform_indices = @transform_4, window_bounds = array<i64: 128, 128>}, {pipeline_mode = #tpu.pipeline_mode<synchronous>, transform_indices = @transform_5, window_bounds = array<i64: 1, 128>}, {pipeline_mode = #tpu.pipeline_mode<synchronous>, transform_indices = @transform_6, window_bounds = array<i64: 128, 128>}, {pipeline_mode = #tpu.pipeline_mode<synchronous>, transform_indices = @transform_7, window_bounds = array<i64: 1, 128>}, {transform_indices = @transform_8, window_bounds = array<i64: 5000, 128>}]} {
    %get3A = arith.constant 0 : index
    %get3A_0 = arith.constant 0 : index
    %get3A_1 = vector.load %arg1[%get3A, %get3A_0] : memref<5000x128xf32, #tpu.memory_space<vmem>>, vector<5000x128xf32>
    %broadcast_in_dim3A = arith.constant 1.000000e+00 : f32
    %broadcast_in_dim3A_2 = vector.broadcast %broadcast_in_dim3A : f32 to vector<16x1xf32>
    %get3A_3 = arith.constant 0 : index
    %get3A_4 = arith.constant 0 : index
    %get3A_5 = arith.constant 0 : index
    %get3A_6 = vector.load %arg3[%get3A_3, %get3A_4, %get3A_5] : memref<1x16x5120xf32, #tpu.memory_space<vmem>>, vector<1x16x5120xf32>
    %get3A_7 = vector.shape_cast %get3A_6 : vector<1x16x5120xf32> to vector<16x5120xf32>
    %dot_general3A = arith.constant dense<0.000000e+00> : vector<5120x1xf32>
    %dot_general3A_8 = tpu.matmul %get3A_7, %broadcast_in_dim3A_2, %dot_general3A {dimension_numbers = #tpu.dot_dimension_numbers<[0], [0], [1], [1], [0, 1, 1, 1], [], []>, transpose_lhs_hint = false} : vector<16x5120xf32>, vector<16x1xf32>, vector<5120x1xf32> -> vector<5120x1xf32>
    %slice3A = vector.extract_strided_slice %dot_general3A_8 {offsets = [0, 0], sizes = [5000, 1], strides = [1, 1]} : vector<5120x1xf32> to vector<5000x1xf32>
    %get3A_9 = arith.constant 0 : index
    %get3A_10 = arith.constant 0 : index
    %get3A_11 = arith.constant 0 : index
    %get3A_12 = vector.load %arg2[%get3A_9, %get3A_10, %get3A_11] : memref<1x5000x128xf32, #tpu.memory_space<vmem>>, vector<1x5000x128xf32>
    %get3A_13 = vector.shape_cast %get3A_12 : vector<1x5000x128xf32> to vector<5000x128xf32>
    %max3A = arith.constant 1.000000e+00 : f32
    %max3A_14 = vector.broadcast %max3A : f32 to vector<5000x1xf32>
    %max3A_15 = arith.maximumf %slice3A, %max3A_14 : vector<5000x1xf32>
    %div3A = vector.broadcast %max3A_15 : vector<5000x1xf32> to vector<5000x128xf32>
    %div3A_16 = arith.divf %get3A_13, %div3A : vector<5000x128xf32>
    %get3A_17 = arith.constant 0 : index
    %get3A_18 = arith.constant 0 : index
    %get3A_19 = vector.load %arg4[%get3A_17, %get3A_18] : memref<128x128xf32, #tpu.memory_space<vmem>>, vector<128x128xf32>
    %dot_general3A_20 = arith.constant dense<0.000000e+00> : vector<5000x128xf32>
    %dot_general3A_21 = tpu.matmul %get3A_1, %get3A_19, %dot_general3A_20 {dimension_numbers = #tpu.dot_dimension_numbers<[1], [0], [0], [1], [0, 0, 1, 1], [], []>, transpose_lhs_hint = false} : vector<5000x128xf32>, vector<128x128xf32>, vector<5000x128xf32> -> vector<5000x128xf32>
    %get3A_22 = arith.constant 0 : index
    %get3A_23 = arith.constant 0 : index
    %get3A_24 = vector.load %arg5[%get3A_22, %get3A_23] : memref<128x128xf32, #tpu.memory_space<vmem>>, vector<128x128xf32>
    %dot_general3A_25 = arith.constant dense<0.000000e+00> : vector<5000x128xf32>
    %dot_general3A_26 = tpu.matmul %div3A_16, %get3A_24, %dot_general3A_25 {dimension_numbers = #tpu.dot_dimension_numbers<[1], [0], [0], [1], [0, 0, 1, 1], [], []>, transpose_lhs_hint = false} : vector<5000x128xf32>, vector<128x128xf32>, vector<5000x128xf32> -> vector<5000x128xf32>
    %add3A = arith.addf %dot_general3A_21, %dot_general3A_26 : vector<5000x128xf32>
    %get3A_27 = arith.constant 0 : index
    %get3A_28 = arith.constant 0 : index
    %get3A_29 = vector.load %arg6[%get3A_27, %get3A_28] : memref<1x128xf32, #tpu.memory_space<vmem>>, vector<1x128xf32>
    %add3A_30 = vector.broadcast %get3A_29 : vector<1x128xf32> to vector<5000x128xf32>
    %add3A_31 = arith.addf %add3A, %add3A_30 : vector<5000x128xf32>
    %gt3A = arith.constant 0.000000e+00 : f32
    %gt3A_32 = vector.broadcast %gt3A : f32 to vector<5000x128xf32>
    %gt3A_33 = arith.cmpf ogt, %add3A_31, %gt3A_32 : vector<5000x128xf32>
    %min3A = arith.constant 0.000000e+00 : f32
    %min3A_34 = vector.broadcast %min3A : f32 to vector<5000x128xf32>
    %min3A_35 = arith.minimumf %add3A_31, %min3A_34 : vector<5000x128xf32>
    %exp3A = math.exp %min3A_35 : vector<5000x128xf32>
    %sub3A = arith.constant 1.000000e+00 : f32
    %sub3A_36 = vector.broadcast %sub3A : f32 to vector<5000x128xf32>
    %sub3A_37 = arith.subf %exp3A, %sub3A_36 : vector<5000x128xf32>
    %select_n3A = arith.select %gt3A_33, %add3A_31, %sub3A_37 : vector<5000x128xi1>, vector<5000x128xf32>
    %get3A_38 = arith.constant 0 : index
    %get3A_39 = arith.constant 0 : index
    %get3A_40 = vector.load %arg7[%get3A_38, %get3A_39] : memref<128x128xf32, #tpu.memory_space<vmem>>, vector<128x128xf32>
    %dot_general3A_41 = arith.constant dense<0.000000e+00> : vector<5000x128xf32>
    %dot_general3A_42 = tpu.matmul %select_n3A, %get3A_40, %dot_general3A_41 {dimension_numbers = #tpu.dot_dimension_numbers<[1], [0], [0], [1], [0, 0, 1, 1], [], []>, transpose_lhs_hint = false} : vector<5000x128xf32>, vector<128x128xf32>, vector<5000x128xf32> -> vector<5000x128xf32>
    %add3A_43 = arith.addf %get3A_1, %dot_general3A_42 : vector<5000x128xf32>
    %get3A_44 = arith.constant 0 : index
    %get3A_45 = arith.constant 0 : index
    %get3A_46 = vector.load %arg8[%get3A_44, %get3A_45] : memref<1x128xf32, #tpu.memory_space<vmem>>, vector<1x128xf32>
    %add3A_47 = vector.broadcast %get3A_46 : vector<1x128xf32> to vector<5000x128xf32>
    %add3A_48 = arith.addf %add3A_43, %add3A_47 : vector<5000x128xf32>
    %swap3A = arith.constant 0 : index
    %swap3A_49 = arith.constant 0 : index
    %swap3A_50 = vector.load %arg9[%swap3A, %swap3A_49] : memref<5000x128xf32, #tpu.memory_space<vmem>>, vector<5000x128xf32>
    tpu.vector_store %arg9[%swap3A, %swap3A_49], %add3A_48 {strides = array<i32>} : memref<5000x128xf32, #tpu.memory_space<vmem>>, vector<5000x128xf32>,
    return
  }
  func.func @transform_0(%arg0: i32) -> (i32, i32) {
    %c0_i32 = arith.constant 0 : i32
    %c0_i32_0 = arith.constant 0 : i32
    return %arg0, %c0_i32 : i32, i32
  }
  func.func @transform_1(%arg0: i32) -> (i32, i32, i32) {
    %c0_i32 = arith.constant 0 : i32
    %c0_i32_0 = arith.constant 0 : i32
    %c0_i32_1 = arith.constant 0 : i32
    return %arg0, %c0_i32, %c0_i32_0 : i32, i32, i32
  }
  func.func @transform_2(%arg0: i32) -> (i32, i32, i32) {
    %c0_i32 = arith.constant 0 : i32
    %c0_i32_0 = arith.constant 0 : i32
    %c0_i32_1 = arith.constant 0 : i32
    return %arg0, %c0_i32, %c0_i32_0 : i32, i32, i32
  }
  func.func @transform_3(%arg0: i32) -> (i32, i32) {
    %c0_i32 = arith.constant 0 : i32
    %c0_i32_0 = arith.constant 0 : i32
    %c0_i32_1 = arith.constant 0 : i32
    return %c0_i32, %c0_i32_0 : i32, i32
  }
  func.func @transform_4(%arg0: i32) -> (i32, i32) {
    %c0_i32 = arith.constant 0 : i32
    %c0_i32_0 = arith.constant 0 : i32
    %c0_i32_1 = arith.constant 0 : i32
    return %c0_i32, %c0_i32_0 : i32, i32
  }
  func.func @transform_5(%arg0: i32) -> (i32, i32) {
    %c0_i32 = arith.constant 0 : i32
    %c0_i32_0 = arith.constant 0 : i32
    %c0_i32_1 = arith.constant 0 : i32
    return %c0_i32, %c0_i32_0 : i32, i32
  }
  func.func @transform_6(%arg0: i32) -> (i32, i32) {
    %c0_i32 = arith.constant 0 : i32
    %c0_i32_0 = arith.constant 0 : i32
    %c0_i32_1 = arith.constant 0 : i32
    return %c0_i32, %c0_i32_0 : i32, i32
  }
  func.func @transform_7(%arg0: i32) -> (i32, i32) {
    %c0_i32 = arith.constant 0 : i32
    %c0_i32_0 = arith.constant 0 : i32
    %c0_i32_1 = arith.constant 0 : i32
    return %c0_i32, %c0_i32_0 : i32, i32
  }
  func.func @transform_8(%arg0: i32) -> (i32, i32) {
    %c0_i32 = arith.constant 0 : i32
    %c0_i32_0 = arith.constant 0 : i32
    return %arg0, %c0_i32 : i32, i32
  }
}

</mosaic_0001>

<sc_bundles>
// kernel: kernel.6.cloned.1.call-start
scs
__scs_entry_jumppad:
0x0: {  	(pc) =	sbr.rel $0x88, $3  }
0x1: {  	(tag) =	ssettag $0x0;
	lr =	simm.s32 $0x1  }
0x2: {  	[smem:$0x3F96] =	sst lr;
	_ =	strace $0xD0000000  }
0x3: {  	_ = 	snop  }
0x4: {  	_ = 	snop  }
0x5: {  	_ = 	snop  }
0x6: {  	_ = 	snop  }
0x7: {  	_ = 	snop  }
__scs_overlays_trampoline_lowered:
0x8: {  	[smem:$0x3FA5] =	sst s0  }
0x9: {  	[smem:$0x3FA6] =	sst s1  }
0xa: {  	[smem:$0x3FA7] =	sst s2  }
0xb: {  	[smem:$0x3FA8] =	sst s3  }
0xc: {  	[smem:$0x3FA9] =	sst s4  }
0xd: {  	[smem:$0x3FAA] =	sst s5  }
0xe: {  	[smem:$0x3FAB] =	sst s6  }
0xf: {  	[smem:$0x3FAC] =	sst s7  }
0x10: {  	[smem:$0x3FAD] =	sst s8  }
0x11: {  	[smem:$0x3FAE] =	sst s9;
	s0 =	simm.s32 @!p0 $0x0  }
0x12: {  	s1 =	sld [smem:$0x3F94];
	s0 =	simm.s32 @p0 $0x1  }
0x13: {  	[smem:$0x3FAF] =	sst s0;
	s0 =	simm.s32 @!p1 $0x0  }
0x14: {  	s2 =	sld [smem:$0x3F93];
	s0 =	simm.s32 @p1 $0x1  }
0x15: {  	[smem:$0x3FB0] =	sst s0;
	s0 =	simm.s32 @!p2 $0x0  }
0x16: {  	s3 =	sld [smem:$0x3FDB];
	s0 =	simm.s32 @p2 $0x1  }
0x17: {  	s4 =	simm.s32 $0x1BF5;
	[smem:$0x3FB2] =	sst s0  }
0x18: {  	s0 =	sld [smem:$0x3F95];
	_ =	swait.ge [sflag:s4], $0x0  }
0x19: {  	s7 =	sld [smem:$0x3F96]  }
0x1a: {  	s8 =	sadd.s32 $0xFFFFE003, lr  }
0x1b: {  	s9 =	sadd.s32 $0xFFFFFEF7, lr;
	s5 =	simm.s32 $0xFFFFFFFF;
	p2 =	slt.u32 s8, $0xFFFFF086  }
0x1c: {  	p1 =	slt.u32 s9, $0xF7A;
	s5 =	simm.s32 @!p2 $0x0  }
0x1d: {  	s5 =	simm.s32 @p1 $0x1;
	p0 =	seq.s32 s7, s2  }
0x1e: {  	s7 =	smul.u32 @!p0 $0xF7A, s2;
	p2 =	seq.s32 @!p0 s5, $0x0  }
0x1f: {  	s9 =	smul.u32 $0xF7A, s1;
	s8 =	simm.s32 @!p0 $0x1BF5;
	p2 =	por !p2, p0  }
0x20: {  	[sflag:s8] =	ssyncset.s32 @!p0 $0xFFFFF086;
	s6 =	sadd.s32 @!p0 s3, s7;
	s7 =	simm.s32 @!p0 $0x108  }
0x21: {  	s3 =	sadd.s32 s3, s9;
	s6 =	sadd.s32 @!p0 $0x88, s6;
	s7 =	simm.s32 @p2 $0x1082  }
0x22: {  	[simem:s7], [sflag:s8] =	dma.local @!p0 [hbm:s6], $0xF7A  }
0x23: {  	s9 =	sor.u32 $0xD0000000, s2;
	s6 =	simm.s32 $0x108;
	_ =	swait.ge @!p0 [sflag:s8], $0x0  }
0x24: {  	s3 =	sadd.s32 $0x88, s3;
	s6 =	simm.s32 @!p1 $0x1082;
	[sflag:s4] =	ssyncset.s32 $0xFFFFF086  }
0x25: {  	[simem:s6], [sflag:s4] =	dma.local [hbm:s3], $0xF7A  }
0x26: {  	[smem:$0x3F96] =	sst s1;
	(tag) =	ssettag s2;
	_ =	strace s9  }
0x27: {  	s1 =	sld [smem:$0x3FA6]  }
0x28: {  	s2 =	sld [smem:$0x3FA7]  }
0x29: {  	s4 =	sld [smem:$0x3FA9]  }
0x2a: {  	p0 =	seq.s32 s5, $0x0;
	s5 =	sld [smem:$0x3FAA]  }
0x2b: {  	s6 =	sld [smem:$0x3FAB]  }
0x2c: {  	s7 =	sld [smem:$0x3FAC]  }
0x2d: {  	s3 =	simm.s32 $0x108;
	s8 =	sld [smem:$0x3FAD]  }
0x2e: {  	s3 =	simm.s32 @!p0 $0x1082;
	s9 =	sld [smem:$0x3FAE]  }
0x2f: {  	lr =	sadd.s32 s0, s3;
	s0 =	sld [smem:$0x3FA5]  }
0x30: {  	s3 =	sld [smem:$0x3FA8]  }
0x31: {  	[smem:$0x3FB1] =	sst s10  }
0x32: {  	s10 =	sld [smem:$0x3FAF];
	_ =	sdelay $0x3  }
0x33: {  	p0 =	seq.s32 s10, $0x1;
	s10 =	sld [smem:$0x3FB1];
	_ =	sdelay $0x3  }
0x34: {  	[smem:$0x3FB1] =	sst s10  }
0x35: {  	s10 =	sld [smem:$0x3FB0];
	_ =	sdelay $0x3  }
0x36: {  	p1 =	seq.s32 s10, $0x1;
	s10 =	sld [smem:$0x3FB1];
	_ =	sdelay $0x3  }
0x37: {  	[smem:$0x3FB1] =	sst s10  }
0x38: {  	s10 =	sld [smem:$0x3FB2]  }
0x39: {  	_ = 	snop;
	(pc) =	sbr.ind lr, $3  }
0x3a: {  	_ = 	snop  }
0x3b: {  	_ = 	snop  }
0x3c: {  	p2 =	seq.s32 s10, $0x1;
	s10 =	sld [smem:$0x3FB1]  }
0x3d: {  	_ =	shalt  }
0x3e: {  	_ =	shalt  }
0x3f: {  	_ =	shalt  }
0x40: {  	_ =	shalt  }
0x41: {  	_ =	shalt  }
0x42: {  	_ =	shalt  }
0x43: {  	_ =	shalt  }
0x44: {  	_ =	shalt  }
0x45: {  	_ =	shalt  }
0x46: {  	_ =	shalt  }
0x47: {  	_ =	shalt  }
0x48: {  	_ =	shalt  }
0x49: {  	_ =	shalt  }
0x4a: {  	_ =	shalt  }
0x4b: {  	_ =	shalt  }
0x4c: {  	_ =	shalt  }
0x4d: {  	_ =	shalt  }
0x4e: {  	_ =	shalt  }
0x4f: {  	_ =	shalt  }
0x50: {  	_ =	shalt  }
0x51: {  	_ =	shalt  }
0x52: {  	_ =	shalt  }
0x53: {  	_ =	shalt  }
0x54: {  	_ =	shalt  }
0x55: {  	_ =	shalt  }
0x56: {  	_ =	shalt  }
0x57: {  	_ =	shalt  }
0x58: {  	_ =	shalt  }
0x59: {  	_ =	shalt  }
0x5a: {  	_ =	shalt  }
0x5b: {  	_ =	shalt  }
0x5c: {  	_ =	shalt  }
0x5d: {  	_ =	shalt  }
0x5e: {  	_ =	shalt  }
0x5f: {  	_ =	shalt  }
0x60: {  	_ =	shalt  }
0x61: {  	_ =	shalt  }
0x62: {  	_ =	shalt  }
0x63: {  	_ =	shalt  }
0x64: {  	_ =	shalt  }
0x65: {  	_ =	shalt  }
0x66: {  	_ =	shalt  }
0x67: {  	_ =	shalt  }
0x68: {  	_ =	shalt  }
0x69: {  	_ =	shalt  }
0x6a: {  	_ =	shalt  }
0x6b: {  	_ =	shalt  }
0x6c: {  	_ =	shalt  }
0x6d: {  	_ =	shalt  }
0x6e: {  	_ =	shalt  }
0x6f: {  	_ =	shalt  }
0x70: {  	_ =	shalt  }
0x71: {  	_ =	shalt  }
0x72: {  	_ =	shalt  }
0x73: {  	_ =	shalt  }
0x74: {  	_ =	shalt  }
0x75: {  	_ =	shalt  }
0x76: {  	_ =	shalt  }
0x77: {  	_ =	shalt  }
0x78: {  	_ =	shalt  }
0x79: {  	_ =	shalt  }
0x7a: {  	_ =	shalt  }
0x7b: {  	_ =	shalt  }
0x7c: {  	_ =	shalt  }
0x7d: {  	_ =	shalt  }
0x7e: {  	_ =	shalt  }
0x7f: {  	_ =	shalt  }
0x80: {  	_ =	shalt  }
0x81: {  	_ =	shalt  }
0x82: {  	_ =	shalt  }
0x83: {  	_ =	shalt  }
0x84: {  	_ =	shalt  }
0x85: {  	_ =	shalt  }
0x86: {  	_ =	shalt  }
0x87: {  	_ =	shalt  }
.Lfunc_end0:
.L_simem_size_0:
called_computation_lowered:
.L_overlay_start_0:
0x88: {  	s2 =	sld [smem:$0x3FD9]  }
0x89: {  	s3 =	sld [smem:$0x3FFE];
	_ =	sdelay $0x1  }
0x8a: {  	s1 =	srdreg.scid  }
0x8b: {  	s0 =	sand.u32 $0x1, s1  }
0x8c: {  	s14 =	sshll.u32 s0, $0xA;
	s2 =	sadd.s32 s3, s2  }
0x8d: {  	s2 =	sadd.s32 s2, s14  }
0x8e: {  	[smem:$0x3FBD] =	sst s2  }
0x8f: {  	_ = 	snop  }
0x90: {  	s2 =	sld [smem:$0x3FD0];
	_ =	sdelay $0x2  }
0x91: {  	s4 =	simm.s32 $0xA;
	s5 =	simm.s32 $0x10;
	s15 =	sld [smem:$0x3FC9]  }
0x92: {  	[smem:s5], [sflag:s4] =	dma.local [hbm:s2], $0x1  }
0x93: {  	_ =	swait.eq [sflag:s4], $0x1  }
0x94: {  	[sflag:s4] =	ssyncset.done $0x0  }
0x95: {  	[sflag:s4] =	ssyncadd.s32 $0xFFFFFFFF  }
0x96: {  	s16 =	sld [smem:$0x10];
	(tm) =	ssettm $0x1  }
0x97: {  	s17 =	sld [smem:$0x3FFB];
	_ =	sdelay $0x3  }
0x98: {  	_ =	strace s17  }
0x99: {  	s4 =	sld [smem:$0x3FFC];
	_ =	sdelay $0x3  }
0x9a: {  	_ =	strace s4  }
0x9b: {  	s4 =	sld [smem:$0x3FFD];
	_ =	sdelay $0x3  }
0x9c: {  	_ =	strace s4  }
0x9d: {  	_ =	strace $0x8FFFFFFF  }
0x9e: {  	s18 =	sld [smem:$0x3FDB];
	_ =	sdelay $0x1  }
0x9f: {  	s19 =	simm.s32 $_scs_section_size  }
0xa0: {  	s6 =	simm.s32 $_size__tile_overlayer_lowered;
	s7 =	simm.s32 $_tile_overlayer_lowered  }
0xa1: {  	s22 =	simm.s32 $0x1BFF;
	s21 =	sshll.u32 s7, $0x1;
	s4 =	sadd.s32 s19, s18  }
0xa2: {  	s8 =	simm.s32 $0x0;
	s20 =	sshll.u32 s6, $0x1;
	s6 =	sadd.s32 s21, s4  }
0xa3: {  	[timem:s8], [sflag:s22] =	dma.local [hbm:s6], s20  }
0xa4: {  	_ =	swait.ge [sflag:s22], s20  }
0xa5: {  	s5 =	ssub.s32 $0x0, s20;
	[sflag:s22] =	ssyncset.done $0x0  }
0xa6: {  	[sflag:s22] =	ssyncadd.s32 s5;
	_ =	sdelay $0x1  }
0xa7: {  	s23 =	simm.s32 $0x1B8B  }
0xa8: {  	_ =	swait.ge [sflag:s23], $0x1  }
0xa9: {  	[sflag:s23] =	ssyncset.done $0x0  }
0xaa: {  	s25 =	simm.s32 $0x1B8E;
	s24 =	sld [smem:$0x3FFE];
	[sflag:s23] =	ssyncadd.s32 $0xFFFFFFFF  }
0xab: {  	s26 =	simm.s32 $execute0_lowered;
	[smem:$0x3FD2] =	sst s25  }
0xac: {  	s6 =	sshll.u32 s26, $0x1;
	_ =	strace $0x80000046;
	[dreg:$0x1] =	wrdreg $0xFFFFFFFF  }
0xad: {  	s28 =	simm.s32 $_size_execute0_lowered;
	s4 =	sadd.s32 s4, s6;
	[dreg:$0x0] =	wrdreg $0x0  }
0xae: {  	s6 =	sshll.u32 s28, $0x1;
	[dreg:$0x2] =	wrdreg s4  }
0xaf: {  	[dreg:$0x3] =	wrdreg s6  }
0xb0: {  	[dreg:$0x4] =	wrdreg $0xC0  }
0xb1: {  	_ =	task [dreg:s8], $0x5FFFF  }
0xb2: {  	[dreg:$0x1] =	wrdreg $0xFFFFFFFF  }
0xb3: {  	[dreg:$0x0] =	wrdreg $0x60  }
0xb4: {  	[dreg:$0x2] =	wrdreg s15  }
0xb5: {  	[dreg:$0x3] =	wrdreg s16  }
0xb6: {  	[dreg:$0x4] =	wrdreg s24  }
0xb7: {  	[dreg:$0x5] =	wrdreg $0x9  }
0xb8: {  	_ =	task.clear_ibuf [dreg:s8], $0x6FFFF;
	_ =	strace $0x90000046  }
0xb9: {  	s29 =	simm.s32 $0x9;
	_ =	strace $0x80000048  }
0xba: {  	_ =	swait.ge [sflag:s29], $0x1  }
0xbb: {  	[sflag:s29] =	ssyncadd.s32 $0xFFFFFFFF  }
0xbc: {  	_ =	strace $0x90000048  }
0xbd: {  	_ =	sfence  }
0xbe: {  	s30 =	sld [smem:$0x0];
	_ =	sdelay $0x2  }
0xbf: {  	s31 =	sshll.u32 s1, $0xD;
	s1 =	sshrl.u32 s1, $0x2  }
0xc0: {  	s3 =	sand.u32 $0x4000, s31;
	s1 =	sadd.s32 s1, s30  }
0xc1: {  	s0 =	sor.u32 s3, s0;
	s1 =	sshll.u32 s1, $0x11  }
0xc2: {  	s0 =	sor.u32 s1, s0  }
0xc3: {  	s0 =	sadd.s32 $0x8F2B, s0  }
0xc4: {  	[sflag:s0] =	ssyncadd.remote.s32 $0x1  }
0xc5: {  	_ =	sfence.sel $0xFFFF  }
0xc6: {  	[dreg:$0x0] =	wrdreg $0xFFFFFFFF;
	(pc) =	sbr.abs _section_cstart, $3  }
0xc7: {  	[dreg:$0x1] =	wrdreg $0xFFFFFFFF  }
0xc8: {  	_ =	task.clear_ibuf [dreg:s8], $0x2FFFF;
	_ =	strace $0x9FFFFFFF  }
0xc9: {  	(tm) =	ssettm $0x7FFFFFFF  }
tec
execute0_lowered:
.L_overlay_start_1:
0x0: {  	(tag) =	ssettag $0x1  }
0x1: {  	s1 =	rddreg [dreg:$0x0]  }
0x2: {  	s8 =	rddreg [dreg:$0x1]  }
0x3: {  	s4 =	rddreg [dreg:$0x2]  }
0x4: {  	s2 =	srdreg.scid;
	s0 =	rddreg [dreg:$0x3]  }
0x5: {  	s3 =	simm.s32 $0x0;
	s12 =	simm.s32 $0x100;
	s5 =	sand.u32 $0x1, s2  }
0x6: {  	s13 =	simm.s32 $0x2900;
	s2 =	stileid.u32;
	s6 =	smul.u32 $0x27100, s5  }
0x7: {  	s14 =	simm.s32 $0x1;
	s15 =	simm.s32 $0x2;
	s7 =	smul.u32 $0x2710, s2  }
0x8: {  	s16 =	simm.s32 $0x0;
	[smem:$0x7FF] =	sst s3;
	s9 =	smul.u32 $0x271000, s5  }
0x9: {  	_ =	strace $0x80000047;
	s5 =	ssub.s32 $0x2, s5;
	s10 =	smul.u32 $0x27100, s2  }
0xa: {  	s29 =	sshrl.u32 s5, $0x1;
	s6 =	sadd.s32 s7, s6;
	s30 =	sadd.s32 s9, s4  }
0xb: {  	s5 =	ssub.s32 s5, s29;
	s9 =	simm.s32 $0x3;
	s11 =	sshrl.u32 s6, $0x3  }
0xc: {  	s6 =	sadd.s32 s10, s30;
	s10 =	simm.s32 $0x80;
	s31 =	sadd.s32 s11, s4  }
0xd: {  	s4 =	smax.u32 s5, $0x1;
	s5 =	sadd.s32 $0xC600, s6;
	s6 =	sadd.s32 $0x4EE600, s6  }
0xe: {  	s8 =	sadd.s32 s11, s8;
	s11 =	simm.s32 $0x50;
	s7 =	sadd.s32 $0x2800, s31  }
.LBB2_1:
0xf: {  	s17 =	sadd.s32 $0x0, s8  }
0x10: {  	[tilespmem:s3], [sflag:$0x3] =	stream.linear.gather [hbm4b:s17+s3], $0x50, $0x38;
	[tilespmem:$0x5100] =	vst v63  }
0x11: {  	_ =	swait.ge [sflag:s9], $0x50  }
0x12: {  	[sflag:s9] =	ssyncset.done $0x0  }
0x13: {  	s31 =	sadd.s32 $0x0, s7;
	[sflag:s9] =	ssyncadd.s32 $0xFFFFFFB0  }
0x14: {  	[tilespmem:s10], [sflag:$0x3] =	stream.linear.gather [hbm4b:s31+s3], $0x50, $0x38;
	[tilespmem:$0x5100] =	vst v63  }
0x15: {  	_ =	swait.ge [sflag:s9], $0x50  }
0x16: {  	[sflag:s9] =	ssyncset.done $0x0  }
0x17: {  	[sflag:s9] =	ssyncadd.s32 $0xFFFFFFB0  }
0x18: {  	[tilespmem:s12], [sflag:$0x1] =	stream.indirect.gather [hbm4b:s1+s11], $0x80, s3, s11, $0xb8;
	[tilespmem:$0x5100] =	vst v63  }
0x19: {  	_ = 	snop  }
0x1a: {  	[tilespmem:s13], [sflag:$0x2] =	stream.indirect.gather [hbm4b:s1+s11], $0x80, s10, s11, $0xb8;
	[tilespmem:$0x5100] =	vst v63  }
0x1b: {  	_ =	swait.ge [sflag:s14], $0x2800  }
0x1c: {  	[sflag:s14] =	ssyncset.done $0x0  }
0x1d: {  	[sflag:s14] =	ssyncadd.s32 $0xFFFFD800  }
0x1e: {  	_ =	swait.ge [sflag:s15], $0x2800  }
0x1f: {  	[sflag:s15] =	ssyncset.done $0x0  }
0x20: {  	[sflag:s15] =	ssyncadd.s32 $0xFFFFD800  }
0x21: {  	[hbm4b:s5+s3] =	stream.linear.scatter [tilespmem:s12], [sflag:$0x3], $0x2800, $0x38;
	[tilespmem:$0x5100] =	vst v63  }
0x22: {  	_ =	swait.ge [sflag:s9], $0x2800  }
0x23: {  	[sflag:s9] =	ssyncset.done $0x0  }
0x24: {  	[sflag:s9] =	ssyncadd.s32 $0xFFFFD800  }
0x25: {  	[hbm4b:s6+s3] =	stream.linear.scatter [tilespmem:s13], [sflag:$0x3], $0x2800, $0x38;
	[tilespmem:$0x5100] =	vst v63  }
0x26: {  	s19 =	simm.s32 $0xA;
	s20 =	simm.s32 $0x14;
	_ =	swait.ge [sflag:s9], $0x2800  }
0x27: {  	s18 =	sadd.s32 $0x500, s5;
	s17 =	sadd.s32 $0x500, s6;
	[sflag:s9] =	ssyncset.done $0x0  }
.LBB2_2:
0x28: {  	s21 =	sadd.s32 s19, s8  }
0x29: {  	[sflag:s9] =	ssyncadd.s32 $0xFFFFD800;
	s22 =	smov.u32 s20;
	s23 =	sadd.s32 $0xA, s20  }
0x2a: {  	[tilespmem:s3], [sflag:$0x3] =	stream.linear.gather [hbm4b:s21+s3], $0x50, $0x38;
	[tilespmem:$0x5100] =	vst v63  }
0x2b: {  	p0 =	sne.s32 s20, $0x4D8;
	_ =	swait.ge [sflag:s9], $0x50  }
0x2c: {  	[sflag:s9] =	ssyncset.done $0x0  }
0x2d: {  	s20 =	sadd.s32 s19, s7;
	s19 =	smov.u32 s22;
	[sflag:s9] =	ssyncadd.s32 $0xFFFFFFB0  }
0x2e: {  	[tilespmem:s10], [sflag:$0x3] =	stream.linear.gather [hbm4b:s20+s3], $0x50, $0x38;
	[tilespmem:$0x5100] =	vst v63  }
0x2f: {  	_ =	swait.ge [sflag:s9], $0x50  }
0x30: {  	[sflag:s9] =	ssyncset.done $0x0  }
0x31: {  	[sflag:s9] =	ssyncadd.s32 $0xFFFFFFB0  }
0x32: {  	[tilespmem:s12], [sflag:$0x1] =	stream.indirect.gather [hbm4b:s1+s11], $0x80, s3, s11, $0xb8;
	[tilespmem:$0x5100] =	vst v63  }
0x33: {  	_ = 	snop  }
0x34: {  	[tilespmem:s13], [sflag:$0x2] =	stream.indirect.gather [hbm4b:s1+s11], $0x80, s10, s11, $0xb8;
	[tilespmem:$0x5100] =	vst v63  }
0x35: {  	_ =	swait.ge [sflag:s14], $0x2800  }
0x36: {  	[sflag:s14] =	ssyncset.done $0x0  }
0x37: {  	[sflag:s14] =	ssyncadd.s32 $0xFFFFD800  }
0x38: {  	_ =	swait.ge [sflag:s15], $0x2800  }
0x39: {  	[sflag:s15] =	ssyncset.done $0x0  }
0x3a: {  	[sflag:s15] =	ssyncadd.s32 $0xFFFFD800  }
0x3b: {  	[hbm4b:s18+s3] =	stream.linear.scatter [tilespmem:s12], [sflag:$0x3], $0x2800, $0x38;
	[tilespmem:$0x5100] =	vst v63  }
0x3c: {  	_ =	swait.ge [sflag:s9], $0x2800  }
.Ltmp0:
0x3d: {  	[sflag:s9] =	ssyncset.done $0x0;
	(pc) =	sbr.rel @p0 .LBB2_2-.Ltmp0, $4  }
0x3e: {  	[sflag:s9] =	ssyncadd.s32 $0xFFFFD800  }
0x3f: {  	[hbm4b:s17+s3] =	stream.linear.scatter [tilespmem:s13], [sflag:$0x3], $0x2800, $0x38;
	[tilespmem:$0x5100] =	vst v63  }
0x40: {  	s20 =	smov.u32 s23;
	_ =	swait.ge [sflag:s9], $0x2800  }
0x41: {  	s18 =	sadd.s32 $0x500, s18;
	s17 =	sadd.s32 $0x500, s17;
	[sflag:s9] =	ssyncset.done $0x0  }
0x42: {  	s20 =	sadd.s32 s19, s8;
	[sflag:s9] =	ssyncadd.s32 $0xFFFFD800  }
0x43: {  	[tilespmem:s3], [sflag:$0x3] =	stream.linear.gather [hbm4b:s20+s3], $0x50, $0x38;
	[tilespmem:$0x5100] =	vst v63  }
0x44: {  	_ =	swait.ge [sflag:s9], $0x50  }
0x45: {  	[sflag:s9] =	ssyncset.done $0x0  }
0x46: {  	s31 =	sadd.s32 s19, s7;
	[sflag:s9] =	ssyncadd.s32 $0xFFFFFFB0  }
0x47: {  	[tilespmem:s10], [sflag:$0x3] =	stream.linear.gather [hbm4b:s31+s3], $0x50, $0x38;
	[tilespmem:$0x5100] =	vst v63  }
0x48: {  	_ =	swait.ge [sflag:s9], $0x50  }
0x49: {  	[sflag:s9] =	ssyncset.done $0x0  }
0x4a: {  	[sflag:s9] =	ssyncadd.s32 $0xFFFFFFB0  }
0x4b: {  	[tilespmem:s12], [sflag:$0x1] =	stream.indirect.gather [hbm4b:s1+s11], $0x80, s3, s11, $0xb8;
	[tilespmem:$0x5100] =	vst v63  }
0x4c: {  	_ = 	snop  }
0x4d: {  	[tilespmem:s13], [sflag:$0x2] =	stream.indirect.gather [hbm4b:s1+s11], $0x80, s10, s11, $0xb8;
	[tilespmem:$0x5100] =	vst v63  }
0x4e: {  	_ =	swait.ge [sflag:s14], $0x2800  }
0x4f: {  	[sflag:s14] =	ssyncset.done $0x0  }
0x50: {  	[sflag:s14] =	ssyncadd.s32 $0xFFFFD800  }
0x51: {  	_ =	swait.ge [sflag:s15], $0x2800  }
0x52: {  	[sflag:s15] =	ssyncset.done $0x0  }
0x53: {  	[sflag:s15] =	ssyncadd.s32 $0xFFFFD800  }
0x54: {  	[hbm4b:s18+s3] =	stream.linear.scatter [tilespmem:s12], [sflag:$0x3], $0x2800, $0x38;
	[tilespmem:$0x5100] =	vst v63  }
0x55: {  	s16 =	sadd.s32 $0x1, s16;
	_ =	swait.ge [sflag:s9], $0x2800  }
0x56: {  	p0 =	sne.s32 s16, s4;
	[sflag:s9] =	ssyncset.done $0x0  }
.Ltmp1:
0x57: {  	[sflag:s9] =	ssyncadd.s32 $0xFFFFD800;
	(pc) =	sbr.rel @p0 .LBB2_1-.Ltmp1, $4  }
0x58: {  	[hbm4b:s17+s3] =	stream.linear.scatter [tilespmem:s13], [sflag:$0x3], $0x2800, $0x38;
	[tilespmem:$0x5100] =	vst v63  }
0x59: {  	_ =	swait.ge [sflag:s9], $0x2800  }
0x5a: {  	[sflag:s9] =	ssyncset.done $0x0  }
0x5b: {  	[sflag:s9] =	ssyncadd.s32 $0xFFFFD800  }
0x5c: {  	_ =	sfence.sel $0x180000  }
0x5d: {  	[bflag:$0x0] =	sbarrier.arrive $0xFFFF  }
0x5e: {  	p0 =	sne.s32 s2, $0x0;
	_ =	strace $0x90000047  }
0x5f: {  	s0 =	sadd.s32 @!p0 $0x100000, s0;
	[bflag:$0x2] =	sbarrier.arrive $0xFFFF  }
0x60: {  	[sflag:s0] =	ssyncadd.tile.s32 @!p0 $0x1;
	_ =	shalt  }
.Lfunc_end2:
_tile_overlayer_lowered:
.L_overlay_start_2:
0x61: {  	(tag) =	ssettag $0x2  }
0x62: {  	s0 =	rddreg [dreg:$0x0];
	s2 =	stileid.u32  }
0x63: {  	s1 =	rddreg [dreg:$0x1];
	p0 =	sne.s32 s2, $0x0  }
0x64: {  	s3 =	rddreg [dreg:$0x2];
	[bflag:$0x3] =	sbarrier.arrive $0xFFFF;
	s2 =	simm.s32 @!p0 $0x1C03  }
0x65: {  	[timem:s3], [sflag:s2] =	dma.local @!p0 [hbm:s0], s1  }
0x66: {  	s0 =	simm.s32 @!p0 $0x3  }
0x67: {  	_ =	swait.ge @!p0 [sflag:s0], s1  }
0x68: {  	s1 =	ssub.s32 @!p0 $0x0, s1;
	[sflag:s0] =	ssyncset.done @!p0 $0x0  }
0x69: {  	[sflag:s0] =	ssyncadd.s32 @!p0 s1  }
0x6a: {  	[bflag:$0x3] =	sbarrier.arrive $0xFFFF  }
0x6b: {  	_ =	shalt  }

// kernel: kernel.9.cloned.1.call-start
scs
__scs_entry_jumppad:
0x0: {  	(pc) =	sbr.rel $0x88, $3  }
0x1: {  	(tag) =	ssettag $0x0;
	lr =	simm.s32 $0x1  }
0x2: {  	[smem:$0x3F96] =	sst lr;
	_ =	strace $0xD0000000  }
0x3: {  	_ = 	snop  }
0x4: {  	_ = 	snop  }
0x5: {  	_ = 	snop  }
0x6: {  	_ = 	snop  }
0x7: {  	_ = 	snop  }
__scs_overlays_trampoline_lowered:
0x8: {  	[smem:$0x3FA5] =	sst s0  }
0x9: {  	[smem:$0x3FA6] =	sst s1  }
0xa: {  	[smem:$0x3FA7] =	sst s2  }
0xb: {  	[smem:$0x3FA8] =	sst s3  }
0xc: {  	[smem:$0x3FA9] =	sst s4  }
0xd: {  	[smem:$0x3FAA] =	sst s5  }
0xe: {  	[smem:$0x3FAB] =	sst s6  }
0xf: {  	[smem:$0x3FAC] =	sst s7  }
0x10: {  	[smem:$0x3FAD] =	sst s8  }
0x11: {  	[smem:$0x3FAE] =	sst s9;
	s0 =	simm.s32 @!p0 $0x0  }
0x12: {  	s1 =	sld [smem:$0x3F94];
	s0 =	simm.s32 @p0 $0x1  }
0x13: {  	[smem:$0x3FAF] =	sst s0;
	s0 =	simm.s32 @!p1 $0x0  }
0x14: {  	s2 =	sld [smem:$0x3F93];
	s0 =	simm.s32 @p1 $0x1  }
0x15: {  	[smem:$0x3FB0] =	sst s0;
	s0 =	simm.s32 @!p2 $0x0  }
0x16: {  	s3 =	sld [smem:$0x3FDB];
	s0 =	simm.s32 @p2 $0x1  }
0x17: {  	s4 =	simm.s32 $0x1BF5;
	[smem:$0x3FB2] =	sst s0  }
0x18: {  	s0 =	sld [smem:$0x3F95];
	_ =	swait.ge [sflag:s4], $0x0  }
0x19: {  	s7 =	sld [smem:$0x3F96]  }
0x1a: {  	s8 =	sadd.s32 $0xFFFFE003, lr  }
0x1b: {  	s9 =	sadd.s32 $0xFFFFFEF7, lr;
	s5 =	simm.s32 $0xFFFFFFFF;
	p2 =	slt.u32 s8, $0xFFFFF086  }
0x1c: {  	p1 =	slt.u32 s9, $0xF7A;
	s5 =	simm.s32 @!p2 $0x0  }
0x1d: {  	s5 =	simm.s32 @p1 $0x1;
	p0 =	seq.s32 s7, s2  }
0x1e: {  	s7 =	smul.u32 @!p0 $0xF7A, s2;
	p2 =	seq.s32 @!p0 s5, $0x0  }
0x1f: {  	s9 =	smul.u32 $0xF7A, s1;
	s8 =	simm.s32 @!p0 $0x1BF5;
	p2 =	por !p2, p0  }
0x20: {  	[sflag:s8] =	ssyncset.s32 @!p0 $0xFFFFF086;
	s6 =	sadd.s32 @!p0 s3, s7;
	s7 =	simm.s32 @!p0 $0x108  }
0x21: {  	s3 =	sadd.s32 s3, s9;
	s6 =	sadd.s32 @!p0 $0x88, s6;
	s7 =	simm.s32 @p2 $0x1082  }
0x22: {  	[simem:s7], [sflag:s8] =	dma.local @!p0 [hbm:s6], $0xF7A  }
0x23: {  	s9 =	sor.u32 $0xD0000000, s2;
	s6 =	simm.s32 $0x108;
	_ =	swait.ge @!p0 [sflag:s8], $0x0  }
0x24: {  	s3 =	sadd.s32 $0x88, s3;
	s6 =	simm.s32 @!p1 $0x1082;
	[sflag:s4] =	ssyncset.s32 $0xFFFFF086  }
0x25: {  	[simem:s6], [sflag:s4] =	dma.local [hbm:s3], $0xF7A  }
0x26: {  	[smem:$0x3F96] =	sst s1;
	(tag) =	ssettag s2;
	_ =	strace s9  }
0x27: {  	s1 =	sld [smem:$0x3FA6]  }
0x28: {  	s2 =	sld [smem:$0x3FA7]  }
0x29: {  	s4 =	sld [smem:$0x3FA9]  }
0x2a: {  	p0 =	seq.s32 s5, $0x0;
	s5 =	sld [smem:$0x3FAA]  }
0x2b: {  	s6 =	sld [smem:$0x3FAB]  }
0x2c: {  	s7 =	sld [smem:$0x3FAC]  }
0x2d: {  	s3 =	simm.s32 $0x108;
	s8 =	sld [smem:$0x3FAD]  }
0x2e: {  	s3 =	simm.s32 @!p0 $0x1082;
	s9 =	sld [smem:$0x3FAE]  }
0x2f: {  	lr =	sadd.s32 s0, s3;
	s0 =	sld [smem:$0x3FA5]  }
0x30: {  	s3 =	sld [smem:$0x3FA8]  }
0x31: {  	[smem:$0x3FB1] =	sst s10  }
0x32: {  	s10 =	sld [smem:$0x3FAF];
	_ =	sdelay $0x3  }
0x33: {  	p0 =	seq.s32 s10, $0x1;
	s10 =	sld [smem:$0x3FB1];
	_ =	sdelay $0x3  }
0x34: {  	[smem:$0x3FB1] =	sst s10  }
0x35: {  	s10 =	sld [smem:$0x3FB0];
	_ =	sdelay $0x3  }
0x36: {  	p1 =	seq.s32 s10, $0x1;
	s10 =	sld [smem:$0x3FB1];
	_ =	sdelay $0x3  }
0x37: {  	[smem:$0x3FB1] =	sst s10  }
0x38: {  	s10 =	sld [smem:$0x3FB2]  }
0x39: {  	_ = 	snop;
	(pc) =	sbr.ind lr, $3  }
0x3a: {  	_ = 	snop  }
0x3b: {  	_ = 	snop  }
0x3c: {  	p2 =	seq.s32 s10, $0x1;
	s10 =	sld [smem:$0x3FB1]  }
0x3d: {  	_ =	shalt  }
0x3e: {  	_ =	shalt  }
0x3f: {  	_ =	shalt  }
0x40: {  	_ =	shalt  }
0x41: {  	_ =	shalt  }
0x42: {  	_ =	shalt  }
0x43: {  	_ =	shalt  }
0x44: {  	_ =	shalt  }
0x45: {  	_ =	shalt  }
0x46: {  	_ =	shalt  }
0x47: {  	_ =	shalt  }
0x48: {  	_ =	shalt  }
0x49: {  	_ =	shalt  }
0x4a: {  	_ =	shalt  }
0x4b: {  	_ =	shalt  }
0x4c: {  	_ =	shalt  }
0x4d: {  	_ =	shalt  }
0x4e: {  	_ =	shalt  }
0x4f: {  	_ =	shalt  }
0x50: {  	_ =	shalt  }
0x51: {  	_ =	shalt  }
0x52: {  	_ =	shalt  }
0x53: {  	_ =	shalt  }
0x54: {  	_ =	shalt  }
0x55: {  	_ =	shalt  }
0x56: {  	_ =	shalt  }
0x57: {  	_ =	shalt  }
0x58: {  	_ =	shalt  }
0x59: {  	_ =	shalt  }
0x5a: {  	_ =	shalt  }
0x5b: {  	_ =	shalt  }
0x5c: {  	_ =	shalt  }
0x5d: {  	_ =	shalt  }
0x5e: {  	_ =	shalt  }
0x5f: {  	_ =	shalt  }
0x60: {  	_ =	shalt  }
0x61: {  	_ =	shalt  }
0x62: {  	_ =	shalt  }
0x63: {  	_ =	shalt  }
0x64: {  	_ =	shalt  }
0x65: {  	_ =	shalt  }
0x66: {  	_ =	shalt  }
0x67: {  	_ =	shalt  }
0x68: {  	_ =	shalt  }
0x69: {  	_ =	shalt  }
0x6a: {  	_ =	shalt  }
0x6b: {  	_ =	shalt  }
0x6c: {  	_ =	shalt  }
0x6d: {  	_ =	shalt  }
0x6e: {  	_ =	shalt  }
0x6f: {  	_ =	shalt  }
0x70: {  	_ =	shalt  }
0x71: {  	_ =	shalt  }
0x72: {  	_ =	shalt  }
0x73: {  	_ =	shalt  }
0x74: {  	_ =	shalt  }
0x75: {  	_ =	shalt  }
0x76: {  	_ =	shalt  }
0x77: {  	_ =	shalt  }
0x78: {  	_ =	shalt  }
0x79: {  	_ =	shalt  }
0x7a: {  	_ =	shalt  }
0x7b: {  	_ =	shalt  }
0x7c: {  	_ =	shalt  }
0x7d: {  	_ =	shalt  }
0x7e: {  	_ =	shalt  }
0x7f: {  	_ =	shalt  }
0x80: {  	_ =	shalt  }
0x81: {  	_ =	shalt  }
0x82: {  	_ =	shalt  }
0x83: {  	_ =	shalt  }
0x84: {  	_ =	shalt  }
0x85: {  	_ =	shalt  }
0x86: {  	_ =	shalt  }
0x87: {  	_ =	shalt  }
.Lfunc_end0:
.L_simem_size_0:
called_computation.1_lowered:
.L_overlay_start_0:
0x88: {  	s2 =	sld [smem:$0x3FD9]  }
0x89: {  	s3 =	sld [smem:$0x3FFE];
	_ =	sdelay $0x1  }
0x8a: {  	s1 =	srdreg.scid  }
0x8b: {  	s0 =	sand.u32 $0x1, s1  }
0x8c: {  	s14 =	sshll.u32 s0, $0xA;
	s2 =	sadd.s32 s3, s2  }
0x8d: {  	s2 =	sadd.s32 s2, s14  }
0x8e: {  	[smem:$0x3FBD] =	sst s2  }
0x8f: {  	_ = 	snop  }
0x90: {  	s2 =	sld [smem:$0x3FD0];
	_ =	sdelay $0x2  }
0x91: {  	s15 =	simm.s32 $0xA;
	s4 =	simm.s32 $0x10  }
0x92: {  	[smem:s4], [sflag:s15] =	dma.local [hbm:s2], $0x1  }
0x93: {  	_ =	swait.eq [sflag:s15], $0x1  }
0x94: {  	[sflag:s15] =	ssyncset.done $0x0  }
0x95: {  	s16 =	sld [smem:$0x10];
	[sflag:s15] =	ssyncadd.s32 $0xFFFFFFFF  }
0x96: {  	s17 =	sld [smem:$0x11];
	(tm) =	ssettm $0x1  }
0x97: {  	s18 =	sld [smem:$0x3FFB];
	_ =	sdelay $0x3  }
0x98: {  	_ =	strace s18  }
0x99: {  	s4 =	sld [smem:$0x3FFC];
	_ =	sdelay $0x3  }
0x9a: {  	_ =	strace s4  }
0x9b: {  	s4 =	sld [smem:$0x3FFD];
	_ =	sdelay $0x3  }
0x9c: {  	_ =	strace s4  }
0x9d: {  	_ =	strace $0x8FFFFFFF  }
0x9e: {  	s19 =	sld [smem:$0x3FDB];
	_ =	sdelay $0x1  }
0x9f: {  	s5 =	simm.s32 $_scs_section_size  }
0xa0: {  	s6 =	simm.s32 $_size__tile_overlayer_lowered;
	s7 =	simm.s32 $_tile_overlayer_lowered  }
0xa1: {  	s22 =	simm.s32 $0x1BFF;
	s21 =	sshll.u32 s7, $0x1;
	s4 =	sadd.s32 s5, s19  }
0xa2: {  	s8 =	simm.s32 $0x0;
	s20 =	sshll.u32 s6, $0x1;
	s6 =	sadd.s32 s21, s4  }
0xa3: {  	[timem:s8], [sflag:s22] =	dma.local [hbm:s6], s20  }
0xa4: {  	_ =	swait.ge [sflag:s22], s20  }
0xa5: {  	s5 =	ssub.s32 $0x0, s20;
	[sflag:s22] =	ssyncset.done $0x0  }
0xa6: {  	[sflag:s22] =	ssyncadd.s32 s5;
	_ =	sdelay $0x1  }
0xa7: {  	s23 =	simm.s32 $0x1B8B  }
0xa8: {  	_ =	swait.ge [sflag:s23], $0x1  }
0xa9: {  	[sflag:s23] =	ssyncset.done $0x0  }
0xaa: {  	s25 =	simm.s32 $0x1B8E;
	s24 =	sld [smem:$0x3FFE];
	[sflag:s23] =	ssyncadd.s32 $0xFFFFFFFF  }
0xab: {  	s26 =	simm.s32 $execute0_lowered;
	[smem:$0x3FD2] =	sst s25  }
0xac: {  	s6 =	sshll.u32 s26, $0x1;
	_ =	strace $0x80000049;
	[dreg:$0x1] =	wrdreg $0xFFFFFFFF  }
0xad: {  	s28 =	simm.s32 $_size_execute0_lowered;
	s4 =	sadd.s32 s4, s6;
	[dreg:$0x0] =	wrdreg $0x0  }
0xae: {  	s6 =	sshll.u32 s28, $0x1;
	[dreg:$0x2] =	wrdreg s4  }
0xaf: {  	[dreg:$0x3] =	wrdreg s6  }
0xb0: {  	[dreg:$0x4] =	wrdreg $0xC0  }
0xb1: {  	_ =	task [dreg:s8], $0x5FFFF  }
0xb2: {  	[dreg:$0x1] =	wrdreg $0xFFFFFFFF  }
0xb3: {  	[dreg:$0x0] =	wrdreg $0x60  }
0xb4: {  	[dreg:$0x2] =	wrdreg s24  }
0xb5: {  	[dreg:$0x3] =	wrdreg s17  }
0xb6: {  	[dreg:$0x4] =	wrdreg s16  }
0xb7: {  	[dreg:$0x5] =	wrdreg $0xE0000  }
0xb8: {  	[dreg:$0x6] =	wrdreg $0x9  }
0xb9: {  	_ =	task.clear_ibuf [dreg:s8], $0x7FFFF;
	_ =	strace $0x90000049  }
0xba: {  	s29 =	simm.s32 $0x9;
	_ =	strace $0x8000004B  }
0xbb: {  	_ =	swait.ge [sflag:s29], $0x1  }
0xbc: {  	[sflag:s29] =	ssyncadd.s32 $0xFFFFFFFF  }
0xbd: {  	_ =	strace $0x9000004B  }
0xbe: {  	_ =	sfence  }
0xbf: {  	s30 =	sld [smem:$0x0];
	_ =	sdelay $0x2  }
0xc0: {  	s31 =	sshll.u32 s1, $0xD;
	s1 =	sshrl.u32 s1, $0x2  }
0xc1: {  	s3 =	sand.u32 $0x4000, s31;
	s1 =	sadd.s32 s1, s30  }
0xc2: {  	s0 =	sor.u32 s3, s0;
	s1 =	sshll.u32 s1, $0x11  }
0xc3: {  	s0 =	sor.u32 s1, s0  }
0xc4: {  	s0 =	sadd.s32 $0x8F2B, s0  }
0xc5: {  	[sflag:s0] =	ssyncadd.remote.s32 $0x1  }
0xc6: {  	_ =	sfence.sel $0xFFFF  }
0xc7: {  	[dreg:$0x0] =	wrdreg $0xFFFFFFFF;
	(pc) =	sbr.abs _section_cstart, $3  }
0xc8: {  	[dreg:$0x1] =	wrdreg $0xFFFFFFFF  }
0xc9: {  	_ =	task.clear_ibuf [dreg:s8], $0x2FFFF;
	_ =	strace $0x9FFFFFFF  }
0xca: {  	(tm) =	ssettm $0x7FFFFFFF  }
0xcb: {  	_ =	shalt  }
tec
execute0_lowered:
.L_overlay_start_1:
0x0: {  	(tag) =	ssettag $0x1  }
0x1: {  	s6 =	rddreg [dreg:$0x0]  }
0x2: {  	s10 =	rddreg [dreg:$0x1]  }
0x3: {  	s8 =	rddreg [dreg:$0x2];
	s0 =	stileid.u32  }
0x4: {  	s1 =	srdreg.scid;
	s4 =	smul.u32 $0x9C4, s0  }
0x5: {  	s2 =	rddreg [dreg:$0x3];
	s3 =	simm.s32 $0x0;
	s11 =	smul.u32 $0xA000, s0  }
0x6: {  	s17 =	simm.s32 $0x80;
	s18 =	simm.s32 $0x0;
	s15 =	smul.u32 $0x28000, s0  }
0x7: {  	s7 =	sand.u32 $0x1, s1;
	s1 =	rddreg [dreg:$0x4];
	s31 =	smul.u32 $0x4E200, s0  }
0x8: {  	[smem:$0x7FF] =	sst s3;
	s5 =	sadd.s32 $0xDA00, s6;
	s9 =	smul.u32 $0xA0000, s7  }
0x9: {  	s13 =	sshrl.u32 s0, $0x3;
	s16 =	sshll.u32 s0, $0x7;
	s24 =	smul.u32 $0x14000, s7  }
0xa: {  	_ =	strace $0x8000004A;
	s25 =	ssub.s32 $0x2, s7;
	s13 =	smul.u32 $0xA000, s13  }
0xb: {  	s28 =	sand.u32 $0x380, s16;
	s29 =	smul.u32 $0x1388, s7;
	s16 =	simm.s32 $0x200  }
0xc: {  	s12 =	sadd.s32 s4, s6;
	s4 =	sadd.s32 $0xC600, s6;
	s14 =	sshrl.u32 s25, $0x1  }
0xd: {  	s30 =	sshrl.u32 s15, $0x2;
	s10 =	sadd.s32 s31, s10;
	s15 =	simm.s32 $0x190  }
0xe: {  	s9 =	sadd.s32 s11, s9;
	s14 =	ssub.s32 s25, s14;
	s26 =	sadd.s32 s24, s13  }
0xf: {  	s13 =	simm.s32 $0x1;
	s9 =	sshrl.u32 s9, $0x3;
	s11 =	sor.u32 s28, s26  }
0x10: {  	s9 =	sadd.s32 s9, s6;
	s6 =	sadd.s32 s30, s2;
	s11 =	sshrl.u32 s11, $0x3  }
0x11: {  	s7 =	sadd.s32 $0xDE00, s9;
	s8 =	sadd.s32 s8, s11;
	s9 =	smax.u32 s14, $0x1  }
0x12: {  	v0 =	vmov s29;
	s11 =	sadd.s32 $0x2800, s12;
	s12 =	simm.s32 $0x400;
	s14 =	simm.s32 $0xCC00  }
.LBB2_1:
0x13: {  	[tilespmem:s12], [sflag:$0x1] =	stream.linear.gather [hbm4b:s4+s3], $0xA000, $0x38;
	[tilespmem:$0x18000] =	vst v63  }
0x14: {  	_ =	swait.ge [sflag:s13], $0xA000  }
0x15: {  	[sflag:s13] =	ssyncset.done $0x0  }
0x16: {  	[sflag:s13] =	ssyncadd.s32 $0xFFFF6000  }
0x17: {  	[spmem:s6] =	stream.linear.scatter [tilespmem:s12], [sflag:$0x1], $0xA000, $0x38;
	[tilespmem:$0x18000] =	vst v63  }
0x18: {  	_ =	swait.ge [sflag:s13], $0xA000  }
0x19: {  	[sflag:s13] =	ssyncset.done $0x0  }
0x1a: {  	[sflag:s13] =	ssyncadd.s32 $0xFFFF6000  }
0x1b: {  	[tilespmem:s14], [sflag:$0x1] =	stream.linear.gather [hbm4b:s5+s3], $0x1400, $0x38;
	[tilespmem:$0x18000] =	vst v63  }
0x1c: {  	_ =	swait.ge [sflag:s13], $0x1400  }
0x1d: {  	[sflag:s13] =	ssyncset.done $0x0  }
0x1e: {  	[sflag:s13] =	ssyncadd.s32 $0xFFFFEC00  }
0x1f: {  	s19 =	smov.u32 s10;
	s20 =	simm.s32 $0x0;
	[bflag:$0x0] =	sbarrier.arrive $0xFFFF  }
.LBB2_2:
0x20: {  	s21 =	sadd.s32 s20, s11  }
0x21: {  	[tilespmem:s3], [sflag:$0x1] =	stream.linear.gather [hbm4b:s21+s3], $0x190, $0x38;
	[tilespmem:$0x18000] =	vst v63  }
0x22: {  	_ =	swait.ge [sflag:s13], $0x190  }
0x23: {  	[sflag:s13] =	ssyncset.done $0x0  }
0x24: {  	[sflag:s13] =	ssyncadd.s32 $0xFFFFFE70  }
0x25: {  	[tilespmem:s12], [sflag:$0x1] =	stream.linear.gather [hbm4b:s19+s3], $0xC800, $0x38;
	[tilespmem:$0x18000] =	vst v63  }
0x26: {  	_ =	swait.ge [sflag:s13], $0xC800  }
0x27: {  	[sflag:s13] =	ssyncset.done $0x0  }
0x28: {  	[sflag:s13] =	ssyncadd.s32 $0xFFFF3800  }
0x29: {  	v1 =	vld [tilespmem:$0x0];
	_ =	sdelay $0x4  }
0x2a: {  	v2 =	vsub.s32 v1, v0;
	v1 =	vand.u32 $0x3F, v1  }
0x2b: {  	vm0 =	vlt.u32 v2, $0x1388;
	v1 =	vadd.s32 $0x1388, v1  }
0x2c: {  	v1 =	vsel vm0, v2, v1  }
0x2d: {  	(xrf1) =	vunique.msk.u32 $0xffff, v1;
	_ =	sdelay $0xd  }
0x2e: {  	_, v2, vm0 =	vpop (xrf1);
	_ =	sdelay $0x3  }
0x2f: {  	v2 =	vcvt.s32.f32 v2  }
0x30: {  	[tilespmem:$0x200] =	vst v1  }
0x31: {  	[tilespmem:v1+s14+$0x0] =	vst.idx.add.f32.msk vm0, v2  }
0x32: {  	v1 =	vld [tilespmem:$0x10];
	_ =	sdelay $0x4  }
0x33: {  	v2 =	vsub.s32 v1, v0;
	v1 =	vand.u32 $0x3F, v1  }
0x34: {  	vm4 =	vlt.u32 v2, $0x1388;
	v1 =	vadd.s32 $0x1388, v1  }
0x35: {  	v1 =	vsel vm4, v2, v1  }
0x36: {  	(xrf1) =	vunique.msk.u32 $0xffff, v1;
	_ =	sdelay $0xd  }
0x37: {  	_, v2, vm0 =	vpop (xrf1);
	_ =	sdelay $0x3  }
0x38: {  	v2 =	vcvt.s32.f32 v2  }
0x39: {  	[tilespmem:$0x210] =	vst v1  }
0x3a: {  	[tilespmem:v1+s14+$0x0] =	vst.idx.add.f32.msk vm0, v2  }
0x3b: {  	v1 =	vld [tilespmem:$0x20];
	_ =	sdelay $0x4  }
0x3c: {  	v2 =	vsub.s32 v1, v0;
	v1 =	vand.u32 $0x3F, v1  }
0x3d: {  	vm5 =	vlt.u32 v2, $0x1388;
	v1 =	vadd.s32 $0x1388, v1  }
0x3e: {  	v1 =	vsel vm5, v2, v1  }
0x3f: {  	(xrf1) =	vunique.msk.u32 $0xffff, v1;
	_ =	sdelay $0xd  }
0x40: {  	_, v2, vm0 =	vpop (xrf1);
	_ =	sdelay $0x3  }
0x41: {  	v2 =	vcvt.s32.f32 v2  }
0x42: {  	[tilespmem:$0x220] =	vst v1  }
0x43: {  	[tilespmem:v1+s14+$0x0] =	vst.idx.add.f32.msk vm0, v2  }
0x44: {  	v1 =	vld [tilespmem:$0x30];
	_ =	sdelay $0x4  }
0x45: {  	v2 =	vsub.s32 v1, v0;
	v1 =	vand.u32 $0x3F, v1  }
0x46: {  	vm6 =	vlt.u32 v2, $0x1388;
	v1 =	vadd.s32 $0x1388, v1  }
0x47: {  	v1 =	vsel vm6, v2, v1  }
0x48: {  	(xrf1) =	vunique.msk.u32 $0xffff, v1;
	_ =	sdelay $0xd  }
0x49: {  	_, v2, vm0 =	vpop (xrf1);
	_ =	sdelay $0x3  }
0x4a: {  	v2 =	vcvt.s32.f32 v2  }
0x4b: {  	[tilespmem:$0x230] =	vst v1  }
0x4c: {  	[tilespmem:v1+s14+$0x0] =	vst.idx.add.f32.msk vm0, v2  }
0x4d: {  	v1 =	vld [tilespmem:$0x40];
	_ =	sdelay $0x4  }
0x4e: {  	v2 =	vsub.s32 v1, v0;
	v1 =	vand.u32 $0x3F, v1  }
0x4f: {  	vm7 =	vlt.u32 v2, $0x1388;
	v1 =	vadd.s32 $0x1388, v1  }
0x50: {  	v1 =	vsel vm7, v2, v1  }
0x51: {  	(xrf1) =	vunique.msk.u32 $0xffff, v1;
	_ =	sdelay $0xd  }
0x52: {  	_, v2, vm0 =	vpop (xrf1);
	_ =	sdelay $0x3  }
0x53: {  	v2 =	vcvt.s32.f32 v2  }
0x54: {  	[tilespmem:$0x240] =	vst v1  }
0x55: {  	[tilespmem:v1+s14+$0x0] =	vst.idx.add.f32.msk vm0, v2  }
0x56: {  	v1 =	vld [tilespmem:$0x50];
	_ =	sdelay $0x4  }
0x57: {  	v2 =	vsub.s32 v1, v0;
	v1 =	vand.u32 $0x3F, v1  }
0x58: {  	vm8 =	vlt.u32 v2, $0x1388;
	v1 =	vadd.s32 $0x1388, v1  }
0x59: {  	v1 =	vsel vm8, v2, v1  }
0x5a: {  	(xrf1) =	vunique.msk.u32 $0xffff, v1;
	_ =	sdelay $0xd  }
0x5b: {  	_, v2, vm0 =	vpop (xrf1);
	_ =	sdelay $0x3  }
0x5c: {  	v2 =	vcvt.s32.f32 v2  }
0x5d: {  	[tilespmem:$0x250] =	vst v1  }
0x5e: {  	[tilespmem:v1+s14+$0x0] =	vst.idx.add.f32.msk vm0, v2  }
0x5f: {  	v1 =	vld [tilespmem:$0x60];
	_ =	sdelay $0x4  }
0x60: {  	v2 =	vsub.s32 v1, v0;
	v1 =	vand.u32 $0x3F, v1  }
0x61: {  	vm9 =	vlt.u32 v2, $0x1388;
	v1 =	vadd.s32 $0x1388, v1  }
0x62: {  	v1 =	vsel vm9, v2, v1  }
0x63: {  	(xrf1) =	vunique.msk.u32 $0xffff, v1;
	_ =	sdelay $0xd  }
0x64: {  	_, v2, vm0 =	vpop (xrf1);
	_ =	sdelay $0x3  }
0x65: {  	v2 =	vcvt.s32.f32 v2  }
0x66: {  	[tilespmem:$0x260] =	vst v1  }
0x67: {  	[tilespmem:v1+s14+$0x0] =	vst.idx.add.f32.msk vm0, v2  }
0x68: {  	v1 =	vld [tilespmem:$0x70];
	_ =	sdelay $0x4  }
0x69: {  	v2 =	vsub.s32 v1, v0;
	v1 =	vand.u32 $0x3F, v1  }
0x6a: {  	vm10 =	vlt.u32 v2, $0x1388;
	v1 =	vadd.s32 $0x1388, v1  }
0x6b: {  	v1 =	vsel vm10, v2, v1  }
0x6c: {  	(xrf1) =	vunique.msk.u32 $0xffff, v1;
	_ =	sdelay $0xd  }
0x6d: {  	_, v2, vm0 =	vpop (xrf1);
	_ =	sdelay $0x3  }
0x6e: {  	v2 =	vcvt.s32.f32 v2  }
0x6f: {  	[tilespmem:$0x270] =	vst v1  }
0x70: {  	[tilespmem:v1+s14+$0x0] =	vst.idx.add.f32.msk vm0, v2  }
0x71: {  	v1 =	vld [tilespmem:$0x80];
	_ =	sdelay $0x4  }
0x72: {  	v2 =	vsub.s32 v1, v0;
	v1 =	vand.u32 $0x3F, v1  }
0x73: {  	vm11 =	vlt.u32 v2, $0x1388;
	v1 =	vadd.s32 $0x1388, v1  }
0x74: {  	v1 =	vsel vm11, v2, v1  }
0x75: {  	(xrf1) =	vunique.msk.u32 $0xffff, v1;
	_ =	sdelay $0xd  }
0x76: {  	_, v2, vm0 =	vpop (xrf1);
	_ =	sdelay $0x3  }
0x77: {  	v2 =	vcvt.s32.f32 v2  }
0x78: {  	[tilespmem:$0x280] =	vst v1  }
0x79: {  	[tilespmem:v1+s14+$0x0] =	vst.idx.add.f32.msk vm0, v2  }
0x7a: {  	v1 =	vld [tilespmem:$0x90];
	_ =	sdelay $0x4  }
0x7b: {  	v2 =	vsub.s32 v1, v0;
	v1 =	vand.u32 $0x3F, v1  }
0x7c: {  	vm12 =	vlt.u32 v2, $0x1388;
	v1 =	vadd.s32 $0x1388, v1  }
0x7d: {  	v1 =	vsel vm12, v2, v1  }
0x7e: {  	(xrf1) =	vunique.msk.u32 $0xffff, v1;
	_ =	sdelay $0xd  }
0x7f: {  	_, v2, vm0 =	vpop (xrf1);
	_ =	sdelay $0x3  }
0x80: {  	v2 =	vcvt.s32.f32 v2  }
0x81: {  	[tilespmem:$0x290] =	vst v1  }
0x82: {  	[tilespmem:v1+s14+$0x0] =	vst.idx.add.f32.msk vm0, v2  }
0x83: {  	v1 =	vld [tilespmem:$0xA0];
	_ =	sdelay $0x4  }
0x84: {  	v2 =	vsub.s32 v1, v0;
	v1 =	vand.u32 $0x3F, v1  }
0x85: {  	vm13 =	vlt.u32 v2, $0x1388;
	v1 =	vadd.s32 $0x1388, v1  }
0x86: {  	v1 =	vsel vm13, v2, v1  }
0x87: {  	(xrf1) =	vunique.msk.u32 $0xffff, v1;
	_ =	sdelay $0xd  }
0x88: {  	_, v2, vm0 =	vpop (xrf1);
	_ =	sdelay $0x3  }
0x89: {  	v2 =	vcvt.s32.f32 v2  }
0x8a: {  	[tilespmem:$0x2A0] =	vst v1  }
0x8b: {  	[tilespmem:v1+s14+$0x0] =	vst.idx.add.f32.msk vm0, v2  }
0x8c: {  	v1 =	vld [tilespmem:$0xB0];
	_ =	sdelay $0x4  }
0x8d: {  	v2 =	vsub.s32 v1, v0;
	v1 =	vand.u32 $0x3F, v1  }
0x8e: {  	vm14 =	vlt.u32 v2, $0x1388;
	v1 =	vadd.s32 $0x1388, v1  }
0x8f: {  	v1 =	vsel vm14, v2, v1  }
0x90: {  	(xrf1) =	vunique.msk.u32 $0xffff, v1;
	_ =	sdelay $0xd  }
0x91: {  	_, v2, vm0 =	vpop (xrf1);
	_ =	sdelay $0x3  }
0x92: {  	v2 =	vcvt.s32.f32 v2  }
0x93: {  	[tilespmem:$0x2B0] =	vst v1  }
0x94: {  	[tilespmem:v1+s14+$0x0] =	vst.idx.add.f32.msk vm0, v2  }
0x95: {  	v1 =	vld [tilespmem:$0xC0];
	_ =	sdelay $0x4  }
0x96: {  	v2 =	vsub.s32 v1, v0;
	v1 =	vand.u32 $0x3F, v1  }
0x97: {  	vm15 =	vlt.u32 v2, $0x1388;
	v1 =	vadd.s32 $0x1388, v1  }
0x98: {  	v1 =	vsel vm15, v2, v1  }
0x99: {  	(xrf1) =	vunique.msk.u32 $0xffff, v1;
	_ =	sdelay $0xd  }
0x9a: {  	_, v2, vm0 =	vpop (xrf1);
	_ =	sdelay $0x3  }
0x9b: {  	v2 =	vcvt.s32.f32 v2  }
0x9c: {  	[tilespmem:$0x2C0] =	vst v1  }
0x9d: {  	[tilespmem:v1+s14+$0x0] =	vst.idx.add.f32.msk vm0, v2  }
0x9e: {  	v1 =	vld [tilespmem:$0xD0];
	_ =	sdelay $0x4  }
0x9f: {  	v2 =	vsub.s32 v1, v0;
	v1 =	vand.u32 $0x3F, v1  }
0xa0: {  	vm4 =	vlt.u32 v2, $0x1388;
	v1 =	vadd.s32 $0x1388, v1  }
0xa1: {  	v1 =	vsel vm4, v2, v1  }
0xa2: {  	(xrf1) =	vunique.msk.u32 $0xffff, v1;
	_ =	sdelay $0xd  }
0xa3: {  	_, v2, vm0 =	vpop (xrf1);
	_ =	sdelay $0x3  }
0xa4: {  	v2 =	vcvt.s32.f32 v2  }
0xa5: {  	[tilespmem:$0x2D0] =	vst v1  }
0xa6: {  	[tilespmem:v1+s14+$0x0] =	vst.idx.add.f32.msk vm0, v2  }
0xa7: {  	v1 =	vld [tilespmem:$0xE0];
	_ =	sdelay $0x4  }
0xa8: {  	v2 =	vsub.s32 v1, v0;
	v1 =	vand.u32 $0x3F, v1  }
0xa9: {  	vm5 =	vlt.u32 v2, $0x1388;
	v1 =	vadd.s32 $0x1388, v1  }
0xaa: {  	v1 =	vsel vm5, v2, v1  }
0xab: {  	(xrf1) =	vunique.msk.u32 $0xffff, v1;
	_ =	sdelay $0xd  }
0xac: {  	_, v2, vm0 =	vpop (xrf1);
	_ =	sdelay $0x3  }
0xad: {  	v2 =	vcvt.s32.f32 v2  }
0xae: {  	[tilespmem:$0x2E0] =	vst v1  }
0xaf: {  	[tilespmem:v1+s14+$0x0] =	vst.idx.add.f32.msk vm0, v2  }
0xb0: {  	v1 =	vld [tilespmem:$0xF0];
	_ =	sdelay $0x4  }
0xb1: {  	v2 =	vsub.s32 v1, v0;
	v1 =	vand.u32 $0x3F, v1  }
0xb2: {  	vm6 =	vlt.u32 v2, $0x1388;
	v1 =	vadd.s32 $0x1388, v1  }
0xb3: {  	v1 =	vsel vm6, v2, v1  }
0xb4: {  	(xrf1) =	vunique.msk.u32 $0xffff, v1;
	_ =	sdelay $0xd  }
0xb5: {  	_, v2, vm0 =	vpop (xrf1);
	_ =	sdelay $0x3  }
0xb6: {  	v2 =	vcvt.s32.f32 v2  }
0xb7: {  	[tilespmem:$0x2F0] =	vst v1  }
0xb8: {  	[tilespmem:v1+s14+$0x0] =	vst.idx.add.f32.msk vm0, v2  }
0xb9: {  	v1 =	vld [tilespmem:$0x100];
	_ =	sdelay $0x4  }
0xba: {  	v2 =	vsub.s32 v1, v0;
	v1 =	vand.u32 $0x3F, v1  }
0xbb: {  	vm7 =	vlt.u32 v2, $0x1388;
	v1 =	vadd.s32 $0x1388, v1  }
0xbc: {  	v1 =	vsel vm7, v2, v1  }
0xbd: {  	(xrf1) =	vunique.msk.u32 $0xffff, v1;
	_ =	sdelay $0xd  }
0xbe: {  	_, v2, vm0 =	vpop (xrf1);
	_ =	sdelay $0x3  }
0xbf: {  	v2 =	vcvt.s32.f32 v2  }
0xc0: {  	[tilespmem:$0x300] =	vst v1  }
0xc1: {  	[tilespmem:v1+s14+$0x0] =	vst.idx.add.f32.msk vm0, v2  }
0xc2: {  	v1 =	vld [tilespmem:$0x110];
	_ =	sdelay $0x4  }
0xc3: {  	v2 =	vsub.s32 v1, v0;
	v1 =	vand.u32 $0x3F, v1  }
0xc4: {  	vm8 =	vlt.u32 v2, $0x1388;
	v1 =	vadd.s32 $0x1388, v1  }
0xc5: {  	v1 =	vsel vm8, v2, v1  }
0xc6: {  	(xrf1) =	vunique.msk.u32 $0xffff, v1;
	_ =	sdelay $0xd  }
0xc7: {  	_, v2, vm0 =	vpop (xrf1);
	_ =	sdelay $0x3  }
0xc8: {  	v2 =	vcvt.s32.f32 v2  }
0xc9: {  	[tilespmem:$0x310] =	vst v1  }
0xca: {  	[tilespmem:v1+s14+$0x0] =	vst.idx.add.f32.msk vm0, v2  }
0xcb: {  	v1 =	vld [tilespmem:$0x120];
	_ =	sdelay $0x4  }
0xcc: {  	v2 =	vsub.s32 v1, v0;
	v1 =	vand.u32 $0x3F, v1  }
0xcd: {  	vm9 =	vlt.u32 v2, $0x1388;
	v1 =	vadd.s32 $0x1388, v1  }
0xce: {  	v1 =	vsel vm9, v2, v1  }
0xcf: {  	(xrf1) =	vunique.msk.u32 $0xffff, v1;
	_ =	sdelay $0xd  }
0xd0: {  	_, v2, vm0 =	vpop (xrf1);
	_ =	sdelay $0x3  }
0xd1: {  	v2 =	vcvt.s32.f32 v2  }
0xd2: {  	[tilespmem:$0x320] =	vst v1  }
0xd3: {  	[tilespmem:v1+s14+$0x0] =	vst.idx.add.f32.msk vm0, v2  }
0xd4: {  	v1 =	vld [tilespmem:$0x130];
	_ =	sdelay $0x4  }
0xd5: {  	v2 =	vsub.s32 v1, v0;
	v1 =	vand.u32 $0x3F, v1  }
0xd6: {  	vm10 =	vlt.u32 v2, $0x1388;
	v1 =	vadd.s32 $0x1388, v1  }
0xd7: {  	v1 =	vsel vm10, v2, v1  }
0xd8: {  	(xrf1) =	vunique.msk.u32 $0xffff, v1;
	_ =	sdelay $0xd  }
0xd9: {  	_, v2, vm0 =	vpop (xrf1);
	_ =	sdelay $0x3  }
0xda: {  	v2 =	vcvt.s32.f32 v2  }
0xdb: {  	[tilespmem:$0x330] =	vst v1  }
0xdc: {  	[tilespmem:v1+s14+$0x0] =	vst.idx.add.f32.msk vm0, v2  }
0xdd: {  	v1 =	vld [tilespmem:$0x140];
	_ =	sdelay $0x4  }
0xde: {  	v2 =	vsub.s32 v1, v0;
	v1 =	vand.u32 $0x3F, v1  }
0xdf: {  	vm11 =	vlt.u32 v2, $0x1388;
	v1 =	vadd.s32 $0x1388, v1  }
0xe0: {  	v1 =	vsel vm11, v2, v1  }
0xe1: {  	(xrf1) =	vunique.msk.u32 $0xffff, v1;
	_ =	sdelay $0xd  }
0xe2: {  	_, v2, vm0 =	vpop (xrf1);
	_ =	sdelay $0x3  }
0xe3: {  	v2 =	vcvt.s32.f32 v2  }
0xe4: {  	[tilespmem:$0x340] =	vst v1  }
0xe5: {  	[tilespmem:v1+s14+$0x0] =	vst.idx.add.f32.msk vm0, v2  }
0xe6: {  	v1 =	vld [tilespmem:$0x150];
	_ =	sdelay $0x4  }
0xe7: {  	v2 =	vsub.s32 v1, v0;
	v1 =	vand.u32 $0x3F, v1  }
0xe8: {  	vm12 =	vlt.u32 v2, $0x1388;
	v1 =	vadd.s32 $0x1388, v1  }
0xe9: {  	v1 =	vsel vm12, v2, v1  }
0xea: {  	(xrf1) =	vunique.msk.u32 $0xffff, v1;
	_ =	sdelay $0xd  }
0xeb: {  	_, v2, vm0 =	vpop (xrf1);
	_ =	sdelay $0x3  }
0xec: {  	v2 =	vcvt.s32.f32 v2  }
0xed: {  	[tilespmem:$0x350] =	vst v1  }
0xee: {  	[tilespmem:v1+s14+$0x0] =	vst.idx.add.f32.msk vm0, v2  }
0xef: {  	v1 =	vld [tilespmem:$0x160];
	_ =	sdelay $0x4  }
0xf0: {  	v2 =	vsub.s32 v1, v0;
	v1 =	vand.u32 $0x3F, v1  }
0xf1: {  	vm13 =	vlt.u32 v2, $0x1388;
	v1 =	vadd.s32 $0x1388, v1  }
0xf2: {  	v1 =	vsel vm13, v2, v1  }
0xf3: {  	(xrf1) =	vunique.msk.u32 $0xffff, v1;
	_ =	sdelay $0xd  }
0xf4: {  	_, v2, vm0 =	vpop (xrf1);
	_ =	sdelay $0x3  }
0xf5: {  	v2 =	vcvt.s32.f32 v2  }
0xf6: {  	[tilespmem:$0x360] =	vst v1  }
0xf7: {  	[tilespmem:v1+s14+$0x0] =	vst.idx.add.f32.msk vm0, v2  }
0xf8: {  	v1 =	vld [tilespmem:$0x170];
	_ =	sdelay $0x4  }
0xf9: {  	v2 =	vsub.s32 v1, v0;
	v1 =	vand.u32 $0x3F, v1  }
0xfa: {  	vm14 =	vlt.u32 v2, $0x1388;
	v1 =	vadd.s32 $0x1388, v1  }
0xfb: {  	v1 =	vsel vm14, v2, v1  }
0xfc: {  	(xrf1) =	vunique.msk.u32 $0xffff, v1;
	_ =	sdelay $0xd  }
0xfd: {  	_, v2, vm0 =	vpop (xrf1);
	_ =	sdelay $0x3  }
0xfe: {  	v2 =	vcvt.s32.f32 v2  }
0xff: {  	[tilespmem:$0x370] =	vst v1  }
0x100: {  	[tilespmem:v1+s14+$0x0] =	vst.idx.add.f32.msk vm0, v2  }
0x101: {  	v1 =	vld [tilespmem:$0x180];
	_ =	sdelay $0x4  }
0x102: {  	v2 =	vsub.s32 v1, v0;
	v1 =	vand.u32 $0x3F, v1  }
0x103: {  	vm15 =	vlt.u32 v2, $0x1388;
	v1 =	vadd.s32 $0x1388, v1  }
0x104: {  	v1 =	vsel vm15, v2, v1  }
0x105: {  	(xrf1) =	vunique.msk.u32 $0xffff, v1;
	_ =	sdelay $0xd  }
0x106: {  	_, v2, vm0 =	vpop (xrf1);
	_ =	sdelay $0x3  }
0x107: {  	v2 =	vcvt.s32.f32 v2  }
0x108: {  	p0 =	sne.s32 s20, $0x992;
	[tilespmem:$0x380] =	vst v1  }
.Ltmp0:
0x109: {  	[tilespmem:v1+s14+$0x0] =	vst.idx.add.f32.msk vm0, v2;
	(pc) =	sbr.rel @p0 .LBB2_2-.Ltmp0, $4  }
0x10a: {  	[spmem:s2] =	stream.indirect.scatter.add.f32 [tilespmem:s12], [sflag:$0x1], $0x80, s16, s15, $0xb8;
	[tilespmem:$0x18000] =	vst v63  }
0x10b: {  	_ =	swait.ge [sflag:s13], $0xC800  }
0x10c: {  	[sflag:s13] =	ssyncset.done $0x0  }
0x10d: {  	s20 =	sadd.s32 $0x32, s20;
	s19 =	sadd.s32 $0x1900, s19;
	[sflag:s13] =	ssyncadd.s32 $0xFFFF3800  }
0x10e: {  	[bflag:$0x0] =	sbarrier.arrive $0xFFFF  }
0x10f: {  	[tilespmem:s12], [sflag:$0x1] =	stream.linear.gather [spmem:s6], $0xA000, $0x38;
	[tilespmem:$0x18000] =	vst v63  }
0x110: {  	_ =	swait.ge [sflag:s13], $0xA000  }
0x111: {  	[sflag:s13] =	ssyncset.done $0x0  }
0x112: {  	[sflag:s13] =	ssyncadd.s32 $0xFFFF6000  }
0x113: {  	[hbm4b:s7+s3] =	stream.linear.scatter [tilespmem:s12], [sflag:$0x1], $0xA000, $0x38;
	[tilespmem:$0x18000] =	vst v63  }
0x114: {  	s18 =	sadd.s32 $0x1, s18;
	_ =	swait.ge [sflag:s13], $0xA000  }
0x115: {  	p0 =	sne.s32 s18, s9;
	[sflag:s13] =	ssyncset.done $0x0  }
.Ltmp1:
0x116: {  	[sflag:s13] =	ssyncadd.s32 $0xFFFF6000;
	(pc) =	sbr.rel @p0 .LBB2_1-.Ltmp1, $4  }
0x117: {  	[hbm4b:s8+s17] =	stream.strided.scatter [tilespmem:s14], [sflag:$0x1], $0x1400, s12, s17, $0x38;
	[tilespmem:$0x18000] =	vst v63  }
0x118: {  	_ =	swait.ge [sflag:s13], $0x1400  }
0x119: {  	[sflag:s13] =	ssyncset.done $0x0  }
0x11a: {  	[sflag:s13] =	ssyncadd.s32 $0xFFFFEC00  }
0x11b: {  	_ =	sfence.sel $0x180000  }
0x11c: {  	[bflag:$0x0] =	sbarrier.arrive $0xFFFF  }
0x11d: {  	p0 =	sne.s32 s0, $0x0;
	_ =	strace $0x9000004A  }
0x11e: {  	s0 =	sadd.s32 @!p0 $0x100000, s1;
	[bflag:$0x2] =	sbarrier.arrive $0xFFFF  }
0x11f: {  	[sflag:s0] =	ssyncadd.tile.s32 @!p0 $0x1;
	_ =	shalt  }
.Lfunc_end2:
_tile_overlayer_lowered:
.L_overlay_start_2:
0x120: {  	(tag) =	ssettag $0x2  }
0x121: {  	s0 =	rddreg [dreg:$0x0];
	s2 =	stileid.u32  }
0x122: {  	s1 =	rddreg [dreg:$0x1];
	p0 =	sne.s32 s2, $0x0  }
0x123: {  	s3 =	rddreg [dreg:$0x2];
	[bflag:$0x3] =	sbarrier.arrive $0xFFFF;
	s2 =	simm.s32 @!p0 $0x1C01  }
0x124: {  	[timem:s3], [sflag:s2] =	dma.local @!p0 [hbm:s0], s1  }
0x125: {  	s0 =	simm.s32 @!p0 $0x1  }
0x126: {  	_ =	swait.ge @!p0 [sflag:s0], s1  }
0x127: {  	s1 =	ssub.s32 @!p0 $0x0, s1;
	[sflag:s0] =	ssyncset.done @!p0 $0x0  }
0x128: {  	[sflag:s0] =	ssyncadd.s32 @!p0 s1  }
0x129: {  	[bflag:$0x3] =	sbarrier.arrive $0xFFFF  }
0x12a: {  	_ =	shalt  }

</sc_bundles>
